<compile_context>
chip_gen: v7x
topology: tpu7x:2x2x1
jax: 0.10.2.dev20260603
libtpu: 0.0.44.dev20260713+nightly
codegen_flags: <defaults>
</compile_context>

<pallas_src>
import jax
import jax.numpy as jnp
from jax import lax
from jax.experimental import pallas as pl
from jax.experimental.pallas import tpu as pltpu
from jax.experimental.pallas import tpu_sc as plsc

VOXEL_SIZE_Z = 0.04
MAX_OFFSET = 5.0

N_IMG = 8
C_FEAT = 128
H_IMG, W_IMG = 224, 384
HW = H_IMG * W_IMG
N_PTS = 25600
SENT_PK = H_IMG * 512

NC, NS = 2, 16
NW = NC * NS

_P1_CHUNK = 3200

_MESH = plsc.VectorSubcoreMesh(
    core_axis_name="c", subcore_axis_name="s", num_cores=NC, num_subcores=NS)


def _p1_body(d_hbm, lin_hbm, pk_hbm, v0_hbm, z_hbm, pts_hbm,
             fidx_hbm, valid_hbm, pts3_hbm,
             d_v, lin_v, pk_v, v0_v, z_v, px_v, py_v, pz_v,
             fidx_v, val_v, p3x_v, p3y_v, p3z_v):
  wid = lax.axis_index("s") * NC + lax.axis_index("c")
  for it in range(2):
    t = wid * 2 + it
    n = t // 8
    base = (t % 8) * _P1_CHUNK
    nbase = n * N_PTS + base
    pltpu.sync_copy(d_hbm.at[pl.ds(n * HW, HW)], d_v)
    pltpu.sync_copy(lin_hbm.at[pl.ds(nbase, _P1_CHUNK)], lin_v)
    pltpu.sync_copy(pk_hbm.at[pl.ds(nbase, _P1_CHUNK)], pk_v)
    pltpu.sync_copy(v0_hbm.at[pl.ds(nbase, _P1_CHUNK)], v0_v)
    pltpu.sync_copy(z_hbm.at[pl.ds(nbase, _P1_CHUNK)], z_v)
    pltpu.sync_copy(pts_hbm.at[pl.ds(base, _P1_CHUNK)], px_v)
    pltpu.sync_copy(pts_hbm.at[pl.ds(N_PTS + base, _P1_CHUNK)], py_v)
    pltpu.sync_copy(pts_hbm.at[pl.ds(2 * N_PTS + base, _P1_CHUNK)], pz_v)

    def body(k, _):
      sl = pl.ds(k * 16, 16)
      lin16 = lin_v[sl]
      dg = plsc.load_gather(d_v, [lin16])
      z16 = z_v[sl]
      cond = ((z16 > dg - jnp.float32(VOXEL_SIZE_Z))
              & (z16 < dg + jnp.float32(VOXEL_SIZE_Z)))
      v = cond & (v0_v[sl] != 0)
      fidx_v[sl] = jnp.where(v, pk_v[sl], SENT_PK)
      val_v[sl] = v.astype(jnp.int32)
      vf = v.astype(jnp.float32)
      p3x_v[sl] = px_v[sl] * vf
      p3y_v[sl] = py_v[sl] * vf
      p3z_v[sl] = pz_v[sl] * vf
      return 0

    lax.fori_loop(0, _P1_CHUNK // 16, body, 0)
    pltpu.sync_copy(fidx_v, fidx_hbm.at[pl.ds(nbase, _P1_CHUNK)])
    pltpu.sync_copy(val_v, valid_hbm.at[pl.ds(nbase, _P1_CHUNK)])
    pltpu.sync_copy(p3x_v, pts3_hbm.at[pl.ds(n * 3 * N_PTS + base, _P1_CHUNK)])
    pltpu.sync_copy(p3y_v, pts3_hbm.at[pl.ds((n * 3 + 1) * N_PTS + base, _P1_CHUNK)])
    pltpu.sync_copy(p3z_v, pts3_hbm.at[pl.ds((n * 3 + 2) * N_PTS + base, _P1_CHUNK)])


_p1 = pl.kernel(
    _p1_body,
    out_type=(
        jax.ShapeDtypeStruct((N_IMG * N_PTS,), jnp.int32),
        jax.ShapeDtypeStruct((N_IMG * N_PTS,), jnp.int32),
        jax.ShapeDtypeStruct((N_IMG * 3 * N_PTS,), jnp.float32),
    ),
    mesh=_MESH,
    scratch_types=[
        pltpu.VMEM((HW,), jnp.float32),
        pltpu.VMEM((_P1_CHUNK,), jnp.int32),
        pltpu.VMEM((_P1_CHUNK,), jnp.int32),
        pltpu.VMEM((_P1_CHUNK,), jnp.int32),
        pltpu.VMEM((_P1_CHUNK,), jnp.float32),
        pltpu.VMEM((_P1_CHUNK,), jnp.float32),
        pltpu.VMEM((_P1_CHUNK,), jnp.float32),
        pltpu.VMEM((_P1_CHUNK,), jnp.float32),
        pltpu.VMEM((_P1_CHUNK,), jnp.int32),
        pltpu.VMEM((_P1_CHUNK,), jnp.int32),
        pltpu.VMEM((_P1_CHUNK,), jnp.float32),
        pltpu.VMEM((_P1_CHUNK,), jnp.float32),
        pltpu.VMEM((_P1_CHUNK,), jnp.float32),
    ],
    compiler_params=pltpu.CompilerParams(needs_layout_passes=False),
    name="backproject_mask_sc",
)


_OUT_CHUNK = 6400


def _p2_body(feat_hbm, fidx_hbm, vol_hbm,
             plane_v, fidx_v, out0_v, out1_v, sem0, sem1):
  wid = lax.axis_index("s") * NC + lax.axis_index("c")
  n = wid // 4
  c0 = (wid % 4) * 32
  pltpu.sync_copy(fidx_hbm.at[pl.ds(n * N_PTS, N_PTS)], fidx_v)
  plane_v[H_IMG, pl.ds(0, 16)] = jnp.zeros((16,), jnp.float32)

  def plane_body(j, _):
    c = c0 + j
    nc = n * C_FEAT + c
    pltpu.sync_copy(feat_hbm.at[n, c], plane_v.at[pl.ds(0, H_IMG), :])

    @pl.when(j > 0)
    def _():
      pltpu.make_async_copy(
          vol_hbm.at[pl.ds(0, _OUT_CHUNK)], out0_v, sem0).wait()
      pltpu.make_async_copy(
          vol_hbm.at[pl.ds(0, _OUT_CHUNK)], out1_v, sem1).wait()

    outs = (out0_v, out1_v, out0_v, out1_v)
    sems = (sem0, sem1, sem0, sem1)
    cps = []
    for q in range(4):
      ob = outs[q]
      if q >= 2:
        cps[q - 2].wait()

      def gbody(k, _, q=q, ob=ob):
        for uu in range(4):
          off = k * 64 + uu * 16
          pk16 = fidx_v[pl.ds(q * _OUT_CHUNK + off, 16)]
          y16 = pk16 >> 9
          x16 = pk16 & 511
          ob[pl.ds(off, 16)] = plsc.load_gather(plane_v, [y16, x16])
        return 0

      lax.fori_loop(0, _OUT_CHUNK // 64, gbody, 0)
      cps.append(pltpu.async_copy(
          ob, vol_hbm.at[pl.ds(nc * N_PTS + q * _OUT_CHUNK, _OUT_CHUNK)],
          sems[q]))
    return 0

  lax.fori_loop(0, 32, plane_body, 0)
  pltpu.make_async_copy(vol_hbm.at[pl.ds(0, _OUT_CHUNK)], out0_v, sem0).wait()
  pltpu.make_async_copy(vol_hbm.at[pl.ds(0, _OUT_CHUNK)], out1_v, sem1).wait()


_p2 = pl.kernel(
    _p2_body,
    out_type=jax.ShapeDtypeStruct((N_IMG * C_FEAT * N_PTS,), jnp.float32),
    mesh=_MESH,
    scratch_types=[
        pltpu.VMEM((H_IMG + 1, W_IMG), jnp.float32),
        pltpu.VMEM((N_PTS,), jnp.int32),
        pltpu.VMEM((_OUT_CHUNK,), jnp.float32),
        pltpu.VMEM((_OUT_CHUNK,), jnp.float32),
        pltpu.SemaphoreType.DMA,
        pltpu.SemaphoreType.DMA,
    ],
    compiler_params=pltpu.CompilerParams(needs_layout_passes=False),
    name="backproject_gather_sc",
)


def kernel(features, points, projection, depth, offsets):
  n, C, H, W = features.shape
  nx, ny, nz = points.shape[-3:]
  off = jnp.tanh(offsets) * MAX_OFFSET
  off = jnp.broadcast_to(off, (n, off.shape[1], 2))
  pts = points.reshape(1, 3, -1)
  N = pts.shape[-1]
  ptsb = jnp.broadcast_to(pts, (n, 3, N))
  pts_h = jnp.concatenate([ptsb, jnp.ones((n, 1, N), dtype=ptsb.dtype)], axis=1)
  p23 = jnp.einsum('bij,bjn->bin', projection, pts_h)
  x = p23[:, 0] / p23[:, 2]
  y = p23[:, 1] / p23[:, 2]
  z = p23[:, 2]
  xi = jnp.round(x + off[:, :, 0]).astype(jnp.int32)
  yi = jnp.round(y + off[:, :, 1]).astype(jnp.int32)
  valid0 = (xi >= 0) & (yi >= 0) & (xi < W) & (yi < H) & (z > 0)
  d = jax.image.resize(depth[:, None, :, :], (n, 1, H, W), method='bilinear')[:, 0]
  xc = jnp.clip(xi, 0, W - 1)
  yc = jnp.clip(yi, 0, H - 1)
  lin = yc * W + xc
  pk = yc * 512 + xc

  fidx, valid_i, pts3 = _p1(
      d.reshape(-1), lin.reshape(-1), pk.reshape(-1),
      valid0.astype(jnp.int32).reshape(-1), z.reshape(-1), pts.reshape(-1))
  vol = _p2(features, fidx)
  volume = vol.reshape(n, C, nx, ny, nz)

  valid_r = (valid_i != 0).reshape(n, 1, nx, ny, nz)
  pts3_r = pts3.reshape(n, 3, nx, ny, nz)
  return volume, valid_r, pts3_r

# --- scband reference (transcript-rebuilt; emitter-appended) ---
"""Pipeline reference for scband-backproject-with-offsets-17334488006656 (READ-ONLY COPY).

The authoritative reference and input builder live on the scoring server;
editing this copy changes nothing except your own understanding.
"""

import jax, jax.numpy as jnp
import numpy as np

VOXEL_SIZE_Z = 0.04
MAX_OFFSET = 5.0

def setup_inputs(seed: int = 0) -> dict:
    key = jax.random.key(seed)
    k1, k2, k3, k4 = jax.random.split(key, 4)
    n, C, H, W = 8, 128, 224, 384
    features = jax.random.normal(k1, (n, C, H, W), dtype=jnp.float32)
    points = jax.random.uniform(k2, (3, 40, 40, 16), dtype=jnp.float32)
    projection = jax.random.uniform(k3, (8, 3, 4), dtype=jnp.float32)
    depth = jax.random.uniform(k4, (8, 112, 192), dtype=jnp.float32)
    offsets = jnp.zeros((1, 25600, 2), dtype=jnp.float32)  # learned param, init to zeros as in torch
    return {"features": features, "points": points, "projection": projection, "depth": depth, "offsets": offsets}


def reference(features, points, projection, depth, offsets):
    n, C, H, W = features.shape
    nx, ny, nz = points.shape[-3:]
    off = jnp.tanh(offsets) * MAX_OFFSET                       # (1, 25600, 2)
    off = jnp.broadcast_to(off, (n, off.shape[1], 2))
    pts = points.reshape(1, 3, -1)
    N = pts.shape[-1]
    pts = jnp.broadcast_to(pts, (n, 3, N))
    pts_h = jnp.concatenate([pts, jnp.ones((n, 1, N), dtype=pts.dtype)], axis=1)  # (n, 4, N)
    p23 = jnp.einsum('bij,bjn->bin', projection, pts_h)        # (n, 3, N)
    x = p23[:, 0] / p23[:, 2]
    y = p23[:, 1] / p23[:, 2]
    z = p23[:, 2]
    xi = jnp.round(x + off[:, :, 0]).astype(jnp.int32)
    yi = jnp.round(y + off[:, :, 1]).astype(jnp.int32)
    valid = (xi >= 0) & (yi >= 0) & (xi < W) & (yi < H) & (z > 0)
    # depth test: bilinear resize to (H, W), compare z against depth window
    d = jax.image.resize(depth[:, None, :, :], (n, 1, H, W), method='bilinear')[:, 0]
    xc = jnp.clip(xi, 0, W - 1)
    yc = jnp.clip(yi, 0, H - 1)
    dg = jax.vmap(lambda di, yy, xx: di[yy, xx])(d, yc, xc)    # (n, N) gather
    cond = (z > dg - VOXEL_SIZE_Z) & (z < dg + VOXEL_SIZE_Z)
    valid = valid & cond
    # scatter features into volume == masked gather at (y, x)
    feat_g = jax.vmap(lambda fi, yy, xx: fi[:, yy, xx])(features, yc, xc)  # (n, C, N)
    volume = feat_g * valid[:, None, :].astype(feat_g.dtype)
    volume = volume.reshape(n, C, nx, ny, nz)
    valid_r = valid.reshape(n, 1, nx, ny, nz)
    pts3 = pts.reshape(n, 3, nx, ny, nz) * valid_r.astype(pts.dtype)
    return volume, valid_r, pts3

if __name__ == "__main__":
    import jax
    _d = setup_inputs()
    print(jax.jit(kernel)(*tuple(_d.values())))

</pallas_src>

<mosaic_0001>
#map = affine_map<(d0, d1) -> (0)>
module attributes {stable_mosaic.version = 14 : i64} {
  func.func @backproject_mask_sc(%arg0: i32, %arg1: i32, %arg2: memref<688128xf32, #tpu.memory_space<hbm>>, %arg3: memref<204800xi32, #tpu.memory_space<hbm>>, %arg4: memref<204800xi32, #tpu.memory_space<hbm>>, %arg5: memref<204800xi32, #tpu.memory_space<hbm>>, %arg6: memref<204800xf32, #tpu.memory_space<hbm>>, %arg7: memref<76800xf32, #tpu.memory_space<hbm>>, %arg8: memref<204800xi32, #tpu.memory_space<hbm>>, %arg9: memref<204800xi32, #tpu.memory_space<hbm>>, %arg10: memref<614400xf32, #tpu.memory_space<hbm>>, %arg11: memref<86016xf32, #tpu.memory_space<vmem>>, %arg12: memref<3200xi32, #tpu.memory_space<vmem>>, %arg13: memref<3200xi32, #tpu.memory_space<vmem>>, %arg14: memref<3200xi32, #tpu.memory_space<vmem>>, %arg15: memref<3200xf32, #tpu.memory_space<vmem>>, %arg16: memref<3200xf32, #tpu.memory_space<vmem>>, %arg17: memref<3200xf32, #tpu.memory_space<vmem>>, %arg18: memref<3200xf32, #tpu.memory_space<vmem>>, %arg19: memref<3200xi32, #tpu.memory_space<vmem>>, %arg20: memref<3200xi32, #tpu.memory_space<vmem>>, %arg21: memref<3200xf32, #tpu.memory_space<vmem>>, %arg22: memref<3200xf32, #tpu.memory_space<vmem>>, %arg23: memref<3200xf32, #tpu.memory_space<vmem>>) attributes {dimension_semantics = [#tpu.dimension_semantics<core_parallel>, #tpu.dimension_semantics<subcore_parallel>], iteration_bounds = array<i64: 2, 16>, scalar_prefetch = 0 : i64, scratch_operands = 13 : i64, tpu.core_type = #tpu.core_type<sc_vector_subcore>, window_params = [{transform_indices = #map}, {transform_indices = #map}, {transform_indices = #map}, {transform_indices = #map}, {transform_indices = #map}, {transform_indices = #map}, {transform_indices = #map}, {transform_indices = #map}, {transform_indices = #map}]} {
    %mul3A = arith.constant 2 : i32
    %mul3A_0 = arith.muli %arg1, %mul3A : i32
    %add3A = arith.addi %mul3A_0, %arg0 : i32
    %mul3A_1 = arith.constant 2 : i32
    %mul3A_2 = arith.muli %add3A, %mul3A_1 : i32
    %add3A_3 = arith.constant 0 : i32
    %add3A_4 = arith.addi %mul3A_2, %add3A_3 : i32
    %jit3A = arith.constant 8 : i32
    %div3A = arith.divsi %add3A_4, %jit3A : i32
    %sign3A = arith.constant 0 : i32
    %sign3A_5 = arith.cmpi sgt, %add3A_4, %sign3A : i32
    %sign3A_6 = arith.extui %sign3A_5 : i1 to i32
    %sign3A_7 = arith.constant 0 : i32
    %sign3A_8 = arith.cmpi slt, %add3A_4, %sign3A_7 : i32
    %sign3A_9 = arith.extui %sign3A_8 : i1 to i32
    %sign3A_10 = arith.subi %sign3A_6, %sign3A_9 : i32
    %sign3A_11 = arith.constant 0 : i32
    %sign3A_12 = arith.cmpi sgt, %jit3A, %sign3A_11 : i32
    %sign3A_13 = arith.extui %sign3A_12 : i1 to i32
    %sign3A_14 = arith.constant 0 : i32
    %sign3A_15 = arith.cmpi slt, %jit3A, %sign3A_14 : i32
    %sign3A_16 = arith.extui %sign3A_15 : i1 to i32
    %sign3A_17 = arith.subi %sign3A_13, %sign3A_16 : i32
    %ne3A = arith.cmpi ne, %sign3A_10, %sign3A_17 : i32
    %rem3A = arith.remsi %add3A_4, %jit3A : i32
    %ne3A_18 = arith.constant 0 : i32
    %ne3A_19 = arith.cmpi ne, %rem3A, %ne3A_18 : i32
    %and3A = arith.andi %ne3A, %ne3A_19 : i1
    %sub3A = arith.constant 1 : i32
    %sub3A_20 = arith.subi %div3A, %sub3A : i32
    %select_n3A = arith.select %and3A, %sub3A_20, %div3A : i32
    %jit3A_21 = arith.constant 8 : i32
    %eq3A = arith.constant 0 : i32
    %eq3A_22 = arith.cmpi eq, %jit3A_21, %eq3A : i32
    %jit3A_23 = arith.constant 1 : i32
    %select_n3A_24 = arith.select %eq3A_22, %jit3A_23, %jit3A_21 : i32
    %rem3A_25 = arith.remsi %add3A_4, %select_n3A_24 : i32
    %ne3A_26 = arith.constant 0 : i32
    %ne3A_27 = arith.cmpi ne, %rem3A_25, %ne3A_26 : i32
    %lt3A = arith.constant 0 : i32
    %lt3A_28 = arith.cmpi slt, %rem3A_25, %lt3A : i32
    %lt3A_29 = arith.constant 0 : i32
    %lt3A_30 = arith.cmpi slt, %select_n3A_24, %lt3A_29 : i32
    %ne3A_31 = arith.xori %lt3A_28, %lt3A_30 : i1
    %and3A_32 = arith.andi %ne3A_31, %ne3A_27 : i1
    %add3A_33 = arith.addi %rem3A_25, %select_n3A_24 : i32
    %select_n3A_34 = arith.select %and3A_32, %add3A_33, %rem3A_25 : i32
    %mul3A_35 = arith.constant 3200 : i32
    %mul3A_36 = arith.muli %select_n3A_34, %mul3A_35 : i32
    %mul3A_37 = arith.constant 25600 : i32
    %mul3A_38 = arith.muli %select_n3A, %mul3A_37 : i32
    %add3A_39 = arith.addi %mul3A_38, %mul3A_36 : i32
    %mul3A_40 = arith.constant 86016 : i32
    %mul3A_41 = arith.muli %select_n3A, %mul3A_40 : i32
    "tpu.region"() ({
      %run_scoped3A = tpu.sem_alloc : memref<!tpu.dma_semaphore, #tpu.memory_space<semaphore_mem>>
      %dma_start3A = tpu.memref_slice %arg2[%mul3A_41] : memref<688128xf32, #tpu.memory_space<hbm>> -> memref<86016xf32, #tpu.memory_space<hbm>>
      %dma_start3A_152 = tpu.memref_slice %arg2[%mul3A_41] : memref<688128xf32, #tpu.memory_space<hbm>> -> memref<86016xf32, #tpu.memory_space<hbm>>
      tpu.enqueue_dma source(%dma_start3A_152 : memref<86016xf32, #tpu.memory_space<hbm>>) target(%arg11 : memref<86016xf32, #tpu.memory_space<vmem>>) target_semaphore(%run_scoped3A : memref<!tpu.dma_semaphore, #tpu.memory_space<semaphore_mem>>)
      %dma_wait3A = tpu.memref_slice %arg2[%mul3A_41] : memref<688128xf32, #tpu.memory_space<hbm>> -> memref<86016xf32, #tpu.memory_space<hbm>>
      %dma_wait3A_153 = tpu.memref_slice %arg2[%mul3A_41] : memref<688128xf32, #tpu.memory_space<hbm>> -> memref<86016xf32, #tpu.memory_space<hbm>>
      tpu.wait_dma2 semaphore(%run_scoped3A : memref<!tpu.dma_semaphore, #tpu.memory_space<semaphore_mem>>) src(%dma_wait3A_153 : memref<86016xf32, #tpu.memory_space<hbm>>) dst(%arg11 : memref<86016xf32, #tpu.memory_space<vmem>>)
      tpu.yield
    }) : () -> ()
    "tpu.region"() ({
      %run_scoped3A = tpu.sem_alloc : memref<!tpu.dma_semaphore, #tpu.memory_space<semaphore_mem>>
      %dma_start3A = tpu.memref_slice %arg3[%add3A_39] : memref<204800xi32, #tpu.memory_space<hbm>> -> memref<3200xi32, #tpu.memory_space<hbm>>
      %dma_start3A_152 = tpu.memref_slice %arg3[%add3A_39] : memref<204800xi32, #tpu.memory_space<hbm>> -> memref<3200xi32, #tpu.memory_space<hbm>>
      tpu.enqueue_dma source(%dma_start3A_152 : memref<3200xi32, #tpu.memory_space<hbm>>) target(%arg12 : memref<3200xi32, #tpu.memory_space<vmem>>) target_semaphore(%run_scoped3A : memref<!tpu.dma_semaphore, #tpu.memory_space<semaphore_mem>>)
      %dma_wait3A = tpu.memref_slice %arg3[%add3A_39] : memref<204800xi32, #tpu.memory_space<hbm>> -> memref<3200xi32, #tpu.memory_space<hbm>>
      %dma_wait3A_153 = tpu.memref_slice %arg3[%add3A_39] : memref<204800xi32, #tpu.memory_space<hbm>> -> memref<3200xi32, #tpu.memory_space<hbm>>
      tpu.wait_dma2 semaphore(%run_scoped3A : memref<!tpu.dma_semaphore, #tpu.memory_space<semaphore_mem>>) src(%dma_wait3A_153 : memref<3200xi32, #tpu.memory_space<hbm>>) dst(%arg12 : memref<3200xi32, #tpu.memory_space<vmem>>)
      tpu.yield
    }) : () -> ()
    "tpu.region"() ({
      %run_scoped3A = tpu.sem_alloc : memref<!tpu.dma_semaphore, #tpu.memory_space<semaphore_mem>>
      %dma_start3A = tpu.memref_slice %arg4[%add3A_39] : memref<204800xi32, #tpu.memory_space<hbm>> -> memref<3200xi32, #tpu.memory_space<hbm>>
      %dma_start3A_152 = tpu.memref_slice %arg4[%add3A_39] : memref<204800xi32, #tpu.memory_space<hbm>> -> memref<3200xi32, #tpu.memory_space<hbm>>
      tpu.enqueue_dma source(%dma_start3A_152 : memref<3200xi32, #tpu.memory_space<hbm>>) target(%arg13 : memref<3200xi32, #tpu.memory_space<vmem>>) target_semaphore(%run_scoped3A : memref<!tpu.dma_semaphore, #tpu.memory_space<semaphore_mem>>)
      %dma_wait3A = tpu.memref_slice %arg4[%add3A_39] : memref<204800xi32, #tpu.memory_space<hbm>> -> memref<3200xi32, #tpu.memory_space<hbm>>
      %dma_wait3A_153 = tpu.memref_slice %arg4[%add3A_39] : memref<204800xi32, #tpu.memory_space<hbm>> -> memref<3200xi32, #tpu.memory_space<hbm>>
      tpu.wait_dma2 semaphore(%run_scoped3A : memref<!tpu.dma_semaphore, #tpu.memory_space<semaphore_mem>>) src(%dma_wait3A_153 : memref<3200xi32, #tpu.memory_space<hbm>>) dst(%arg13 : memref<3200xi32, #tpu.memory_space<vmem>>)
      tpu.yield
    }) : () -> ()
    "tpu.region"() ({
      %run_scoped3A = tpu.sem_alloc : memref<!tpu.dma_semaphore, #tpu.memory_space<semaphore_mem>>
      %dma_start3A = tpu.memref_slice %arg5[%add3A_39] : memref<204800xi32, #tpu.memory_space<hbm>> -> memref<3200xi32, #tpu.memory_space<hbm>>
      %dma_start3A_152 = tpu.memref_slice %arg5[%add3A_39] : memref<204800xi32, #tpu.memory_space<hbm>> -> memref<3200xi32, #tpu.memory_space<hbm>>
      tpu.enqueue_dma source(%dma_start3A_152 : memref<3200xi32, #tpu.memory_space<hbm>>) target(%arg14 : memref<3200xi32, #tpu.memory_space<vmem>>) target_semaphore(%run_scoped3A : memref<!tpu.dma_semaphore, #tpu.memory_space<semaphore_mem>>)
      %dma_wait3A = tpu.memref_slice %arg5[%add3A_39] : memref<204800xi32, #tpu.memory_space<hbm>> -> memref<3200xi32, #tpu.memory_space<hbm>>
      %dma_wait3A_153 = tpu.memref_slice %arg5[%add3A_39] : memref<204800xi32, #tpu.memory_space<hbm>> -> memref<3200xi32, #tpu.memory_space<hbm>>
      tpu.wait_dma2 semaphore(%run_scoped3A : memref<!tpu.dma_semaphore, #tpu.memory_space<semaphore_mem>>) src(%dma_wait3A_153 : memref<3200xi32, #tpu.memory_space<hbm>>) dst(%arg14 : memref<3200xi32, #tpu.memory_space<vmem>>)
      tpu.yield
    }) : () -> ()
    "tpu.region"() ({
      %run_scoped3A = tpu.sem_alloc : memref<!tpu.dma_semaphore, #tpu.memory_space<semaphore_mem>>
      %dma_start3A = tpu.memref_slice %arg6[%add3A_39] : memref<204800xf32, #tpu.memory_space<hbm>> -> memref<3200xf32, #tpu.memory_space<hbm>>
      %dma_start3A_152 = tpu.memref_slice %arg6[%add3A_39] : memref<204800xf32, #tpu.memory_space<hbm>> -> memref<3200xf32, #tpu.memory_space<hbm>>
      tpu.enqueue_dma source(%dma_start3A_152 : memref<3200xf32, #tpu.memory_space<hbm>>) target(%arg15 : memref<3200xf32, #tpu.memory_space<vmem>>) target_semaphore(%run_scoped3A : memref<!tpu.dma_semaphore, #tpu.memory_space<semaphore_mem>>)
      %dma_wait3A = tpu.memref_slice %arg6[%add3A_39] : memref<204800xf32, #tpu.memory_space<hbm>> -> memref<3200xf32, #tpu.memory_space<hbm>>
      %dma_wait3A_153 = tpu.memref_slice %arg6[%add3A_39] : memref<204800xf32, #tpu.memory_space<hbm>> -> memref<3200xf32, #tpu.memory_space<hbm>>
      tpu.wait_dma2 semaphore(%run_scoped3A : memref<!tpu.dma_semaphore, #tpu.memory_space<semaphore_mem>>) src(%dma_wait3A_153 : memref<3200xf32, #tpu.memory_space<hbm>>) dst(%arg15 : memref<3200xf32, #tpu.memory_space<vmem>>)
      tpu.yield
    }) : () -> ()
    "tpu.region"() ({
      %run_scoped3A = tpu.sem_alloc : memref<!tpu.dma_semaphore, #tpu.memory_space<semaphore_mem>>
      %dma_start3A = tpu.memref_slice %arg7[%mul3A_36] : memref<76800xf32, #tpu.memory_space<hbm>> -> memref<3200xf32, #tpu.memory_space<hbm>>
      %dma_start3A_152 = tpu.memref_slice %arg7[%mul3A_36] : memref<76800xf32, #tpu.memory_space<hbm>> -> memref<3200xf32, #tpu.memory_space<hbm>>
      tpu.enqueue_dma source(%dma_start3A_152 : memref<3200xf32, #tpu.memory_space<hbm>>) target(%arg16 : memref<3200xf32, #tpu.memory_space<vmem>>) target_semaphore(%run_scoped3A : memref<!tpu.dma_semaphore, #tpu.memory_space<semaphore_mem>>)
      %dma_wait3A = tpu.memref_slice %arg7[%mul3A_36] : memref<76800xf32, #tpu.memory_space<hbm>> -> memref<3200xf32, #tpu.memory_space<hbm>>
      %dma_wait3A_153 = tpu.memref_slice %arg7[%mul3A_36] : memref<76800xf32, #tpu.memory_space<hbm>> -> memref<3200xf32, #tpu.memory_space<hbm>>
      tpu.wait_dma2 semaphore(%run_scoped3A : memref<!tpu.dma_semaphore, #tpu.memory_space<semaphore_mem>>) src(%dma_wait3A_153 : memref<3200xf32, #tpu.memory_space<hbm>>) dst(%arg16 : memref<3200xf32, #tpu.memory_space<vmem>>)
      tpu.yield
    }) : () -> ()
    %add3A_42 = arith.constant 25600 : i32
    %add3A_43 = arith.addi %add3A_42, %mul3A_36 : i32
    "tpu.region"() ({
      %run_scoped3A = tpu.sem_alloc : memref<!tpu.dma_semaphore, #tpu.memory_space<semaphore_mem>>
      %dma_start3A = tpu.memref_slice %arg7[%add3A_43] : memref<76800xf32, #tpu.memory_space<hbm>> -> memref<3200xf32, #tpu.memory_space<hbm>>
      %dma_start3A_152 = tpu.memref_slice %arg7[%add3A_43] : memref<76800xf32, #tpu.memory_space<hbm>> -> memref<3200xf32, #tpu.memory_space<hbm>>
      tpu.enqueue_dma source(%dma_start3A_152 : memref<3200xf32, #tpu.memory_space<hbm>>) target(%arg17 : memref<3200xf32, #tpu.memory_space<vmem>>) target_semaphore(%run_scoped3A : memref<!tpu.dma_semaphore, #tpu.memory_space<semaphore_mem>>)
      %dma_wait3A = tpu.memref_slice %arg7[%add3A_43] : memref<76800xf32, #tpu.memory_space<hbm>> -> memref<3200xf32, #tpu.memory_space<hbm>>
      %dma_wait3A_153 = tpu.memref_slice %arg7[%add3A_43] : memref<76800xf32, #tpu.memory_space<hbm>> -> memref<3200xf32, #tpu.memory_space<hbm>>
      tpu.wait_dma2 semaphore(%run_scoped3A : memref<!tpu.dma_semaphore, #tpu.memory_space<semaphore_mem>>) src(%dma_wait3A_153 : memref<3200xf32, #tpu.memory_space<hbm>>) dst(%arg17 : memref<3200xf32, #tpu.memory_space<vmem>>)
      tpu.yield
    }) : () -> ()
    %add3A_44 = arith.constant 51200 : i32
    %add3A_45 = arith.addi %add3A_44, %mul3A_36 : i32
    "tpu.region"() ({
      %run_scoped3A = tpu.sem_alloc : memref<!tpu.dma_semaphore, #tpu.memory_space<semaphore_mem>>
      %dma_start3A = tpu.memref_slice %arg7[%add3A_45] : memref<76800xf32, #tpu.memory_space<hbm>> -> memref<3200xf32, #tpu.memory_space<hbm>>
      %dma_start3A_152 = tpu.memref_slice %arg7[%add3A_45] : memref<76800xf32, #tpu.memory_space<hbm>> -> memref<3200xf32, #tpu.memory_space<hbm>>
      tpu.enqueue_dma source(%dma_start3A_152 : memref<3200xf32, #tpu.memory_space<hbm>>) target(%arg18 : memref<3200xf32, #tpu.memory_space<vmem>>) target_semaphore(%run_scoped3A : memref<!tpu.dma_semaphore, #tpu.memory_space<semaphore_mem>>)
      %dma_wait3A = tpu.memref_slice %arg7[%add3A_45] : memref<76800xf32, #tpu.memory_space<hbm>> -> memref<3200xf32, #tpu.memory_space<hbm>>
      %dma_wait3A_153 = tpu.memref_slice %arg7[%add3A_45] : memref<76800xf32, #tpu.memory_space<hbm>> -> memref<3200xf32, #tpu.memory_space<hbm>>
      tpu.wait_dma2 semaphore(%run_scoped3A : memref<!tpu.dma_semaphore, #tpu.memory_space<semaphore_mem>>) src(%dma_wait3A_153 : memref<3200xf32, #tpu.memory_space<hbm>>) dst(%arg18 : memref<3200xf32, #tpu.memory_space<vmem>>)
      tpu.yield
    }) : () -> ()
    %scan3A = arith.constant 0 : i32
    %scan3A_46 = arith.constant 0 : i32
    %scan3A_47 = arith.constant 200 : i32
    %scan3A_48 = arith.addi %scan3A_46, %scan3A_47 : i32
    %scan3A_49 = arith.constant 1 : i32
    %scan3A_50 = scf.for %scan3A_152 = %scan3A_46 to %scan3A_48 step %scan3A_49 iter_args(%scan3A_153 = %scan3A) -> (i32)  : i32 {
      %mul3A_154 = arith.constant 16 : i32
      %mul3A_155 = arith.muli %scan3A_152, %mul3A_154 : i32
      %get3A = arith.index_cast %mul3A_155 : i32 to index
      %get3A_156 = tpu.vector_load %arg12[%get3A] {strides = array<i32>} : memref<3200xi32, #tpu.memory_space<vmem>>, vector<16xi32>,
      %gather3A = tpu.vector_load_idx %arg11[%get3A_156] : memref<86016xf32, #tpu.memory_space<vmem>>[vector<16xi32>], vector<16xf32>,
      %get3A_157 = arith.index_cast %mul3A_155 : i32 to index
      %get3A_158 = tpu.vector_load %arg15[%get3A_157] {strides = array<i32>} : memref<3200xf32, #tpu.memory_space<vmem>>, vector<16xf32>,
      %sub3A_159 = arith.constant 4.000000e-02 : f32
      %sub3A_160 = vector.broadcast %sub3A_159 : f32 to vector<16xf32>
      %sub3A_161 = arith.subf %gather3A, %sub3A_160 : vector<16xf32>
      %gt3A = arith.cmpf ogt, %get3A_158, %sub3A_161 : vector<16xf32>
      %add3A_162 = arith.constant 4.000000e-02 : f32
      %add3A_163 = vector.broadcast %add3A_162 : f32 to vector<16xf32>
      %add3A_164 = arith.addf %gather3A, %add3A_163 : vector<16xf32>
      %lt3A_165 = arith.cmpf olt, %get3A_158, %add3A_164 : vector<16xf32>
      %and3A_166 = arith.andi %gt3A, %lt3A_165 : vector<16xi1>
      %get3A_167 = arith.index_cast %mul3A_155 : i32 to index
      %get3A_168 = tpu.vector_load %arg14[%get3A_167] {strides = array<i32>} : memref<3200xi32, #tpu.memory_space<vmem>>, vector<16xi32>,
      %ne3A_169 = arith.constant 0 : i32
      %ne3A_170 = vector.broadcast %ne3A_169 : i32 to vector<16xi32>
      %ne3A_171 = arith.cmpi ne, %get3A_168, %ne3A_170 : vector<16xi32>
      %and3A_172 = arith.andi %and3A_166, %ne3A_171 : vector<16xi1>
      %get3A_173 = arith.index_cast %mul3A_155 : i32 to index
      %get3A_174 = tpu.vector_load %arg13[%get3A_173] {strides = array<i32>} : memref<3200xi32, #tpu.memory_space<vmem>>, vector<16xi32>,
      %jit3A_175 = arith.constant 114688 : i32
      %broadcast_in_dim3A = vector.broadcast %jit3A_175 : i32 to vector<16xi32>
      %select_n3A_176 = arith.select %and3A_172, %get3A_174, %broadcast_in_dim3A : vector<16xi1>, vector<16xi32>
      %swap3A = arith.index_cast %mul3A_155 : i32 to index
      %swap3A_177 = tpu.vector_load %arg19[%swap3A] {strides = array<i32>} : memref<3200xi32, #tpu.memory_space<vmem>>, vector<16xi32>,
      tpu.vector_store %arg19[%swap3A], %select_n3A_176 {strides = array<i32>} : memref<3200xi32, #tpu.memory_space<vmem>>, vector<16xi32>,
      %convert_element_type3A = arith.extui %and3A_172 : vector<16xi1> to vector<16xi32>
      %swap3A_178 = arith.index_cast %mul3A_155 : i32 to index
      %swap3A_179 = tpu.vector_load %arg20[%swap3A_178] {strides = array<i32>} : memref<3200xi32, #tpu.memory_space<vmem>>, vector<16xi32>,
      tpu.vector_store %arg20[%swap3A_178], %convert_element_type3A {strides = array<i32>} : memref<3200xi32, #tpu.memory_space<vmem>>, vector<16xi32>,
      %convert_element_type3A_180 = arith.extui %and3A_172 : vector<16xi1> to vector<16xi32>
      %convert_element_type3A_181 = arith.sitofp %convert_element_type3A_180 : vector<16xi32> to vector<16xf32>
      %get3A_182 = arith.index_cast %mul3A_155 : i32 to index
      %get3A_183 = tpu.vector_load %arg16[%get3A_182] {strides = array<i32>} : memref<3200xf32, #tpu.memory_space<vmem>>, vector<16xf32>,
      %mul3A_184 = arith.mulf %get3A_183, %convert_element_type3A_181 : vector<16xf32>
      %swap3A_185 = arith.index_cast %mul3A_155 : i32 to index
      %swap3A_186 = tpu.vector_load %arg21[%swap3A_185] {strides = array<i32>} : memref<3200xf32, #tpu.memory_space<vmem>>, vector<16xf32>,
      tpu.vector_store %arg21[%swap3A_185], %mul3A_184 {strides = array<i32>} : memref<3200xf32, #tpu.memory_space<vmem>>, vector<16xf32>,
      %get3A_187 = arith.index_cast %mul3A_155 : i32 to index
      %get3A_188 = tpu.vector_load %arg17[%get3A_187] {strides = array<i32>} : memref<3200xf32, #tpu.memory_space<vmem>>, vector<16xf32>,
      %mul3A_189 = arith.mulf %get3A_188, %convert_element_type3A_181 : vector<16xf32>
      %swap3A_190 = arith.index_cast %mul3A_155 : i32 to index
      %swap3A_191 = tpu.vector_load %arg22[%swap3A_190] {strides = array<i32>} : memref<3200xf32, #tpu.memory_space<vmem>>, vector<16xf32>,
      tpu.vector_store %arg22[%swap3A_190], %mul3A_189 {strides = array<i32>} : memref<3200xf32, #tpu.memory_space<vmem>>, vector<16xf32>,
      %get3A_192 = arith.index_cast %mul3A_155 : i32 to index
      %get3A_193 = tpu.vector_load %arg18[%get3A_192] {strides = array<i32>} : memref<3200xf32, #tpu.memory_space<vmem>>, vector<16xf32>,
      %mul3A_194 = arith.mulf %get3A_193, %convert_element_type3A_181 : vector<16xf32>
      %swap3A_195 = arith.index_cast %mul3A_155 : i32 to index
      %swap3A_196 = tpu.vector_load %arg23[%swap3A_195] {strides = array<i32>} : memref<3200xf32, #tpu.memory_space<vmem>>, vector<16xf32>,
      tpu.vector_store %arg23[%swap3A_195], %mul3A_194 {strides = array<i32>} : memref<3200xf32, #tpu.memory_space<vmem>>, vector<16xf32>,
      %scan3A_197 = arith.constant 0 : i32
      scf.yield %scan3A_197 : i32
    }
    %scan3A_51 = arith.constant 200 : i32
    "tpu.region"() ({
      %run_scoped3A = tpu.sem_alloc : memref<!tpu.dma_semaphore, #tpu.memory_space<semaphore_mem>>
      %dma_start3A = tpu.memref_slice %arg8[%add3A_39] : memref<204800xi32, #tpu.memory_space<hbm>> -> memref<3200xi32, #tpu.memory_space<hbm>>
      %dma_start3A_152 = tpu.memref_slice %arg8[%add3A_39] : memref<204800xi32, #tpu.memory_space<hbm>> -> memref<3200xi32, #tpu.memory_space<hbm>>
      tpu.enqueue_dma source(%arg19 : memref<3200xi32, #tpu.memory_space<vmem>>) target(%dma_start3A_152 : memref<3200xi32, #tpu.memory_space<hbm>>) target_semaphore(%run_scoped3A : memref<!tpu.dma_semaphore, #tpu.memory_space<semaphore_mem>>)
      %dma_wait3A = tpu.memref_slice %arg8[%add3A_39] : memref<204800xi32, #tpu.memory_space<hbm>> -> memref<3200xi32, #tpu.memory_space<hbm>>
      %dma_wait3A_153 = tpu.memref_slice %arg8[%add3A_39] : memref<204800xi32, #tpu.memory_space<hbm>> -> memref<3200xi32, #tpu.memory_space<hbm>>
      tpu.wait_dma2 semaphore(%run_scoped3A : memref<!tpu.dma_semaphore, #tpu.memory_space<semaphore_mem>>) src(%arg19 : memref<3200xi32, #tpu.memory_space<vmem>>) dst(%dma_wait3A_153 : memref<3200xi32, #tpu.memory_space<hbm>>)
      tpu.yield
    }) : () -> ()
    "tpu.region"() ({
      %run_scoped3A = tpu.sem_alloc : memref<!tpu.dma_semaphore, #tpu.memory_space<semaphore_mem>>
      %dma_start3A = tpu.memref_slice %arg9[%add3A_39] : memref<204800xi32, #tpu.memory_space<hbm>> -> memref<3200xi32, #tpu.memory_space<hbm>>
      %dma_start3A_152 = tpu.memref_slice %arg9[%add3A_39] : memref<204800xi32, #tpu.memory_space<hbm>> -> memref<3200xi32, #tpu.memory_space<hbm>>
      tpu.enqueue_dma source(%arg20 : memref<3200xi32, #tpu.memory_space<vmem>>) target(%dma_start3A_152 : memref<3200xi32, #tpu.memory_space<hbm>>) target_semaphore(%run_scoped3A : memref<!tpu.dma_semaphore, #tpu.memory_space<semaphore_mem>>)
      %dma_wait3A = tpu.memref_slice %arg9[%add3A_39] : memref<204800xi32, #tpu.memory_space<hbm>> -> memref<3200xi32, #tpu.memory_space<hbm>>
      %dma_wait3A_153 = tpu.memref_slice %arg9[%add3A_39] : memref<204800xi32, #tpu.memory_space<hbm>> -> memref<3200xi32, #tpu.memory_space<hbm>>
      tpu.wait_dma2 semaphore(%run_scoped3A : memref<!tpu.dma_semaphore, #tpu.memory_space<semaphore_mem>>) src(%arg20 : memref<3200xi32, #tpu.memory_space<vmem>>) dst(%dma_wait3A_153 : memref<3200xi32, #tpu.memory_space<hbm>>)
      tpu.yield
    }) : () -> ()
    %mul3A_52 = arith.constant 3 : i32
    %mul3A_53 = arith.muli %select_n3A, %mul3A_52 : i32
    %mul3A_54 = arith.constant 25600 : i32
    %mul3A_55 = arith.muli %mul3A_53, %mul3A_54 : i32
    %add3A_56 = arith.addi %mul3A_55, %mul3A_36 : i32
    "tpu.region"() ({
      %run_scoped3A = tpu.sem_alloc : memref<!tpu.dma_semaphore, #tpu.memory_space<semaphore_mem>>
      %dma_start3A = tpu.memref_slice %arg10[%add3A_56] : memref<614400xf32, #tpu.memory_space<hbm>> -> memref<3200xf32, #tpu.memory_space<hbm>>
      %dma_start3A_152 = tpu.memref_slice %arg10[%add3A_56] : memref<614400xf32, #tpu.memory_space<hbm>> -> memref<3200xf32, #tpu.memory_space<hbm>>
      tpu.enqueue_dma source(%arg21 : memref<3200xf32, #tpu.memory_space<vmem>>) target(%dma_start3A_152 : memref<3200xf32, #tpu.memory_space<hbm>>) target_semaphore(%run_scoped3A : memref<!tpu.dma_semaphore, #tpu.memory_space<semaphore_mem>>)
      %dma_wait3A = tpu.memref_slice %arg10[%add3A_56] : memref<614400xf32, #tpu.memory_space<hbm>> -> memref<3200xf32, #tpu.memory_space<hbm>>
      %dma_wait3A_153 = tpu.memref_slice %arg10[%add3A_56] : memref<614400xf32, #tpu.memory_space<hbm>> -> memref<3200xf32, #tpu.memory_space<hbm>>
      tpu.wait_dma2 semaphore(%run_scoped3A : memref<!tpu.dma_semaphore, #tpu.memory_space<semaphore_mem>>) src(%arg21 : memref<3200xf32, #tpu.memory_space<vmem>>) dst(%dma_wait3A_153 : memref<3200xf32, #tpu.memory_space<hbm>>)
      tpu.yield
    }) : () -> ()
    %mul3A_57 = arith.constant 3 : i32
    %mul3A_58 = arith.muli %select_n3A, %mul3A_57 : i32
    %add3A_59 = arith.constant 1 : i32
    %add3A_60 = arith.addi %mul3A_58, %add3A_59 : i32
    %mul3A_61 = arith.constant 25600 : i32
    %mul3A_62 = arith.muli %add3A_60, %mul3A_61 : i32
    %add3A_63 = arith.addi %mul3A_62, %mul3A_36 : i32
    "tpu.region"() ({
      %run_scoped3A = tpu.sem_alloc : memref<!tpu.dma_semaphore, #tpu.memory_space<semaphore_mem>>
      %dma_start3A = tpu.memref_slice %arg10[%add3A_63] : memref<614400xf32, #tpu.memory_space<hbm>> -> memref<3200xf32, #tpu.memory_space<hbm>>
      %dma_start3A_152 = tpu.memref_slice %arg10[%add3A_63] : memref<614400xf32, #tpu.memory_space<hbm>> -> memref<3200xf32, #tpu.memory_space<hbm>>
      tpu.enqueue_dma source(%arg22 : memref<3200xf32, #tpu.memory_space<vmem>>) target(%dma_start3A_152 : memref<3200xf32, #tpu.memory_space<hbm>>) target_semaphore(%run_scoped3A : memref<!tpu.dma_semaphore, #tpu.memory_space<semaphore_mem>>)
      %dma_wait3A = tpu.memref_slice %arg10[%add3A_63] : memref<614400xf32, #tpu.memory_space<hbm>> -> memref<3200xf32, #tpu.memory_space<hbm>>
      %dma_wait3A_153 = tpu.memref_slice %arg10[%add3A_63] : memref<614400xf32, #tpu.memory_space<hbm>> -> memref<3200xf32, #tpu.memory_space<hbm>>
      tpu.wait_dma2 semaphore(%run_scoped3A : memref<!tpu.dma_semaphore, #tpu.memory_space<semaphore_mem>>) src(%arg22 : memref<3200xf32, #tpu.memory_space<vmem>>) dst(%dma_wait3A_153 : memref<3200xf32, #tpu.memory_space<hbm>>)
      tpu.yield
    }) : () -> ()
    %mul3A_64 = arith.constant 3 : i32
    %mul3A_65 = arith.muli %select_n3A, %mul3A_64 : i32
    %add3A_66 = arith.constant 2 : i32
    %add3A_67 = arith.addi %mul3A_65, %add3A_66 : i32
    %mul3A_68 = arith.constant 25600 : i32
    %mul3A_69 = arith.muli %add3A_67, %mul3A_68 : i32
    %add3A_70 = arith.addi %mul3A_69, %mul3A_36 : i32
    "tpu.region"() ({
      %run_scoped3A = tpu.sem_alloc : memref<!tpu.dma_semaphore, #tpu.memory_space<semaphore_mem>>
      %dma_start3A = tpu.memref_slice %arg10[%add3A_70] : memref<614400xf32, #tpu.memory_space<hbm>> -> memref<3200xf32, #tpu.memory_space<hbm>>
      %dma_start3A_152 = tpu.memref_slice %arg10[%add3A_70] : memref<614400xf32, #tpu.memory_space<hbm>> -> memref<3200xf32, #tpu.memory_space<hbm>>
      tpu.enqueue_dma source(%arg23 : memref<3200xf32, #tpu.memory_space<vmem>>) target(%dma_start3A_152 : memref<3200xf32, #tpu.memory_space<hbm>>) target_semaphore(%run_scoped3A : memref<!tpu.dma_semaphore, #tpu.memory_space<semaphore_mem>>)
      %dma_wait3A = tpu.memref_slice %arg10[%add3A_70] : memref<614400xf32, #tpu.memory_space<hbm>> -> memref<3200xf32, #tpu.memory_space<hbm>>
      %dma_wait3A_153 = tpu.memref_slice %arg10[%add3A_70] : memref<614400xf32, #tpu.memory_space<hbm>> -> memref<3200xf32, #tpu.memory_space<hbm>>
      tpu.wait_dma2 semaphore(%run_scoped3A : memref<!tpu.dma_semaphore, #tpu.memory_space<semaphore_mem>>) src(%arg23 : memref<3200xf32, #tpu.memory_space<vmem>>) dst(%dma_wait3A_153 : memref<3200xf32, #tpu.memory_space<hbm>>)
      tpu.yield
    }) : () -> ()
    %mul3A_71 = arith.constant 2 : i32
    %mul3A_72 = arith.muli %add3A, %mul3A_71 : i32
    %add3A_73 = arith.constant 1 : i32
    %add3A_74 = arith.addi %mul3A_72, %add3A_73 : i32
    %jit3A_75 = arith.constant 8 : i32
    %div3A_76 = arith.divsi %add3A_74, %jit3A_75 : i32
    %sign3A_77 = arith.constant 0 : i32
    %sign3A_78 = arith.cmpi sgt, %add3A_74, %sign3A_77 : i32
    %sign3A_79 = arith.extui %sign3A_78 : i1 to i32
    %sign3A_80 = arith.constant 0 : i32
    %sign3A_81 = arith.cmpi slt, %add3A_74, %sign3A_80 : i32
    %sign3A_82 = arith.extui %sign3A_81 : i1 to i32
    %sign3A_83 = arith.subi %sign3A_79, %sign3A_82 : i32
    %sign3A_84 = arith.constant 0 : i32
    %sign3A_85 = arith.cmpi sgt, %jit3A_75, %sign3A_84 : i32
    %sign3A_86 = arith.extui %sign3A_85 : i1 to i32
    %sign3A_87 = arith.constant 0 : i32
    %sign3A_88 = arith.cmpi slt, %jit3A_75, %sign3A_87 : i32
    %sign3A_89 = arith.extui %sign3A_88 : i1 to i32
    %sign3A_90 = arith.subi %sign3A_86, %sign3A_89 : i32
    %ne3A_91 = arith.cmpi ne, %sign3A_83, %sign3A_90 : i32
    %rem3A_92 = arith.remsi %add3A_74, %jit3A_75 : i32
    %ne3A_93 = arith.constant 0 : i32
    %ne3A_94 = arith.cmpi ne, %rem3A_92, %ne3A_93 : i32
    %and3A_95 = arith.andi %ne3A_91, %ne3A_94 : i1
    %sub3A_96 = arith.constant 1 : i32
    %sub3A_97 = arith.subi %div3A_76, %sub3A_96 : i32
    %select_n3A_98 = arith.select %and3A_95, %sub3A_97, %div3A_76 : i32
    %jit3A_99 = arith.constant 8 : i32
    %eq3A_100 = arith.constant 0 : i32
    %eq3A_101 = arith.cmpi eq, %jit3A_99, %eq3A_100 : i32
    %jit3A_102 = arith.constant 1 : i32
    %select_n3A_103 = arith.select %eq3A_101, %jit3A_102, %jit3A_99 : i32
    %rem3A_104 = arith.remsi %add3A_74, %select_n3A_103 : i32
    %ne3A_105 = arith.constant 0 : i32
    %ne3A_106 = arith.cmpi ne, %rem3A_104, %ne3A_105 : i32
    %lt3A_107 = arith.constant 0 : i32
    %lt3A_108 = arith.cmpi slt, %rem3A_104, %lt3A_107 : i32
    %lt3A_109 = arith.constant 0 : i32
    %lt3A_110 = arith.cmpi slt, %select_n3A_103, %lt3A_109 : i32
    %ne3A_111 = arith.xori %lt3A_108, %lt3A_110 : i1
    %and3A_112 = arith.andi %ne3A_111, %ne3A_106 : i1
    %add3A_113 = arith.addi %rem3A_104, %select_n3A_103 : i32
    %select_n3A_114 = arith.select %and3A_112, %add3A_113, %rem3A_104 : i32
    %mul3A_115 = arith.constant 3200 : i32
    %mul3A_116 = arith.muli %select_n3A_114, %mul3A_115 : i32
    %mul3A_117 = arith.constant 25600 : i32
    %mul3A_118 = arith.muli %select_n3A_98, %mul3A_117 : i32
    %add3A_119 = arith.addi %mul3A_118, %mul3A_116 : i32
    %mul3A_120 = arith.constant 86016 : i32
    %mul3A_121 = arith.muli %select_n3A_98, %mul3A_120 : i32
    "tpu.region"() ({
      %run_scoped3A = tpu.sem_alloc : memref<!tpu.dma_semaphore, #tpu.memory_space<semaphore_mem>>
      %dma_start3A = tpu.memref_slice %arg2[%mul3A_121] : memref<688128xf32, #tpu.memory_space<hbm>> -> memref<86016xf32, #tpu.memory_space<hbm>>
      %dma_start3A_152 = tpu.memref_slice %arg2[%mul3A_121] : memref<688128xf32, #tpu.memory_space<hbm>> -> memref<86016xf32, #tpu.memory_space<hbm>>
      tpu.enqueue_dma source(%dma_start3A_152 : memref<86016xf32, #tpu.memory_space<hbm>>) target(%arg11 : memref<86016xf32, #tpu.memory_space<vmem>>) target_semaphore(%run_scoped3A : memref<!tpu.dma_semaphore, #tpu.memory_space<semaphore_mem>>)
      %dma_wait3A = tpu.memref_slice %arg2[%mul3A_121] : memref<688128xf32, #tpu.memory_space<hbm>> -> memref<86016xf32, #tpu.memory_space<hbm>>
      %dma_wait3A_153 = tpu.memref_slice %arg2[%mul3A_121] : memref<688128xf32, #tpu.memory_space<hbm>> -> memref<86016xf32, #tpu.memory_space<hbm>>
      tpu.wait_dma2 semaphore(%run_scoped3A : memref<!tpu.dma_semaphore, #tpu.memory_space<semaphore_mem>>) src(%dma_wait3A_153 : memref<86016xf32, #tpu.memory_space<hbm>>) dst(%arg11 : memref<86016xf32, #tpu.memory_space<vmem>>)
      tpu.yield
    }) : () -> ()
    "tpu.region"() ({
      %run_scoped3A = tpu.sem_alloc : memref<!tpu.dma_semaphore, #tpu.memory_space<semaphore_mem>>
      %dma_start3A = tpu.memref_slice %arg3[%add3A_119] : memref<204800xi32, #tpu.memory_space<hbm>> -> memref<3200xi32, #tpu.memory_space<hbm>>
      %dma_start3A_152 = tpu.memref_slice %arg3[%add3A_119] : memref<204800xi32, #tpu.memory_space<hbm>> -> memref<3200xi32, #tpu.memory_space<hbm>>
      tpu.enqueue_dma source(%dma_start3A_152 : memref<3200xi32, #tpu.memory_space<hbm>>) target(%arg12 : memref<3200xi32, #tpu.memory_space<vmem>>) target_semaphore(%run_scoped3A : memref<!tpu.dma_semaphore, #tpu.memory_space<semaphore_mem>>)
      %dma_wait3A = tpu.memref_slice %arg3[%add3A_119] : memref<204800xi32, #tpu.memory_space<hbm>> -> memref<3200xi32, #tpu.memory_space<hbm>>
      %dma_wait3A_153 = tpu.memref_slice %arg3[%add3A_119] : memref<204800xi32, #tpu.memory_space<hbm>> -> memref<3200xi32, #tpu.memory_space<hbm>>
      tpu.wait_dma2 semaphore(%run_scoped3A : memref<!tpu.dma_semaphore, #tpu.memory_space<semaphore_mem>>) src(%dma_wait3A_153 : memref<3200xi32, #tpu.memory_space<hbm>>) dst(%arg12 : memref<3200xi32, #tpu.memory_space<vmem>>)
      tpu.yield
    }) : () -> ()
    "tpu.region"() ({
      %run_scoped3A = tpu.sem_alloc : memref<!tpu.dma_semaphore, #tpu.memory_space<semaphore_mem>>
      %dma_start3A = tpu.memref_slice %arg4[%add3A_119] : memref<204800xi32, #tpu.memory_space<hbm>> -> memref<3200xi32, #tpu.memory_space<hbm>>
      %dma_start3A_152 = tpu.memref_slice %arg4[%add3A_119] : memref<204800xi32, #tpu.memory_space<hbm>> -> memref<3200xi32, #tpu.memory_space<hbm>>
      tpu.enqueue_dma source(%dma_start3A_152 : memref<3200xi32, #tpu.memory_space<hbm>>) target(%arg13 : memref<3200xi32, #tpu.memory_space<vmem>>) target_semaphore(%run_scoped3A : memref<!tpu.dma_semaphore, #tpu.memory_space<semaphore_mem>>)
      %dma_wait3A = tpu.memref_slice %arg4[%add3A_119] : memref<204800xi32, #tpu.memory_space<hbm>> -> memref<3200xi32, #tpu.memory_space<hbm>>
      %dma_wait3A_153 = tpu.memref_slice %arg4[%add3A_119] : memref<204800xi32, #tpu.memory_space<hbm>> -> memref<3200xi32, #tpu.memory_space<hbm>>
      tpu.wait_dma2 semaphore(%run_scoped3A : memref<!tpu.dma_semaphore, #tpu.memory_space<semaphore_mem>>) src(%dma_wait3A_153 : memref<3200xi32, #tpu.memory_space<hbm>>) dst(%arg13 : memref<3200xi32, #tpu.memory_space<vmem>>)
      tpu.yield
    }) : () -> ()
    "tpu.region"() ({
      %run_scoped3A = tpu.sem_alloc : memref<!tpu.dma_semaphore, #tpu.memory_space<semaphore_mem>>
      %dma_start3A = tpu.memref_slice %arg5[%add3A_119] : memref<204800xi32, #tpu.memory_space<hbm>> -> memref<3200xi32, #tpu.memory_space<hbm>>
      %dma_start3A_152 = tpu.memref_slice %arg5[%add3A_119] : memref<204800xi32, #tpu.memory_space<hbm>> -> memref<3200xi32, #tpu.memory_space<hbm>>
      tpu.enqueue_dma source(%dma_start3A_152 : memref<3200xi32, #tpu.memory_space<hbm>>) target(%arg14 : memref<3200xi32, #tpu.memory_space<vmem>>) target_semaphore(%run_scoped3A : memref<!tpu.dma_semaphore, #tpu.memory_space<semaphore_mem>>)
      %dma_wait3A = tpu.memref_slice %arg5[%add3A_119] : memref<204800xi32, #tpu.memory_space<hbm>> -> memref<3200xi32, #tpu.memory_space<hbm>>
      %dma_wait3A_153 = tpu.memref_slice %arg5[%add3A_119] : memref<204800xi32, #tpu.memory_space<hbm>> -> memref<3200xi32, #tpu.memory_space<hbm>>
      tpu.wait_dma2 semaphore(%run_scoped3A : memref<!tpu.dma_semaphore, #tpu.memory_space<semaphore_mem>>) src(%dma_wait3A_153 : memref<3200xi32, #tpu.memory_space<hbm>>) dst(%arg14 : memref<3200xi32, #tpu.memory_space<vmem>>)
      tpu.yield
    }) : () -> ()
    "tpu.region"() ({
      %run_scoped3A = tpu.sem_alloc : memref<!tpu.dma_semaphore, #tpu.memory_space<semaphore_mem>>
      %dma_start3A = tpu.memref_slice %arg6[%add3A_119] : memref<204800xf32, #tpu.memory_space<hbm>> -> memref<3200xf32, #tpu.memory_space<hbm>>
      %dma_start3A_152 = tpu.memref_slice %arg6[%add3A_119] : memref<204800xf32, #tpu.memory_space<hbm>> -> memref<3200xf32, #tpu.memory_space<hbm>>
      tpu.enqueue_dma source(%dma_start3A_152 : memref<3200xf32, #tpu.memory_space<hbm>>) target(%arg15 : memref<3200xf32, #tpu.memory_space<vmem>>) target_semaphore(%run_scoped3A : memref<!tpu.dma_semaphore, #tpu.memory_space<semaphore_mem>>)
      %dma_wait3A = tpu.memref_slice %arg6[%add3A_119] : memref<204800xf32, #tpu.memory_space<hbm>> -> memref<3200xf32, #tpu.memory_space<hbm>>
      %dma_wait3A_153 = tpu.memref_slice %arg6[%add3A_119] : memref<204800xf32, #tpu.memory_space<hbm>> -> memref<3200xf32, #tpu.memory_space<hbm>>
      tpu.wait_dma2 semaphore(%run_scoped3A : memref<!tpu.dma_semaphore, #tpu.memory_space<semaphore_mem>>) src(%dma_wait3A_153 : memref<3200xf32, #tpu.memory_space<hbm>>) dst(%arg15 : memref<3200xf32, #tpu.memory_space<vmem>>)
      tpu.yield
    }) : () -> ()
    "tpu.region"() ({
      %run_scoped3A = tpu.sem_alloc : memref<!tpu.dma_semaphore, #tpu.memory_space<semaphore_mem>>
      %dma_start3A = tpu.memref_slice %arg7[%mul3A_116] : memref<76800xf32, #tpu.memory_space<hbm>> -> memref<3200xf32, #tpu.memory_space<hbm>>
      %dma_start3A_152 = tpu.memref_slice %arg7[%mul3A_116] : memref<76800xf32, #tpu.memory_space<hbm>> -> memref<3200xf32, #tpu.memory_space<hbm>>
      tpu.enqueue_dma source(%dma_start3A_152 : memref<3200xf32, #tpu.memory_space<hbm>>) target(%arg16 : memref<3200xf32, #tpu.memory_space<vmem>>) target_semaphore(%run_scoped3A : memref<!tpu.dma_semaphore, #tpu.memory_space<semaphore_mem>>)
      %dma_wait3A = tpu.memref_slice %arg7[%mul3A_116] : memref<76800xf32, #tpu.memory_space<hbm>> -> memref<3200xf32, #tpu.memory_space<hbm>>
      %dma_wait3A_153 = tpu.memref_slice %arg7[%mul3A_116] : memref<76800xf32, #tpu.memory_space<hbm>> -> memref<3200xf32, #tpu.memory_space<hbm>>
      tpu.wait_dma2 semaphore(%run_scoped3A : memref<!tpu.dma_semaphore, #tpu.memory_space<semaphore_mem>>) src(%dma_wait3A_153 : memref<3200xf32, #tpu.memory_space<hbm>>) dst(%arg16 : memref<3200xf32, #tpu.memory_space<vmem>>)
      tpu.yield
    }) : () -> ()
    %add3A_122 = arith.constant 25600 : i32
    %add3A_123 = arith.addi %add3A_122, %mul3A_116 : i32
    "tpu.region"() ({
      %run_scoped3A = tpu.sem_alloc : memref<!tpu.dma_semaphore, #tpu.memory_space<semaphore_mem>>
      %dma_start3A = tpu.memref_slice %arg7[%add3A_123] : memref<76800xf32, #tpu.memory_space<hbm>> -> memref<3200xf32, #tpu.memory_space<hbm>>
      %dma_start3A_152 = tpu.memref_slice %arg7[%add3A_123] : memref<76800xf32, #tpu.memory_space<hbm>> -> memref<3200xf32, #tpu.memory_space<hbm>>
      tpu.enqueue_dma source(%dma_start3A_152 : memref<3200xf32, #tpu.memory_space<hbm>>) target(%arg17 : memref<3200xf32, #tpu.memory_space<vmem>>) target_semaphore(%run_scoped3A : memref<!tpu.dma_semaphore, #tpu.memory_space<semaphore_mem>>)
      %dma_wait3A = tpu.memref_slice %arg7[%add3A_123] : memref<76800xf32, #tpu.memory_space<hbm>> -> memref<3200xf32, #tpu.memory_space<hbm>>
      %dma_wait3A_153 = tpu.memref_slice %arg7[%add3A_123] : memref<76800xf32, #tpu.memory_space<hbm>> -> memref<3200xf32, #tpu.memory_space<hbm>>
      tpu.wait_dma2 semaphore(%run_scoped3A : memref<!tpu.dma_semaphore, #tpu.memory_space<semaphore_mem>>) src(%dma_wait3A_153 : memref<3200xf32, #tpu.memory_space<hbm>>) dst(%arg17 : memref<3200xf32, #tpu.memory_space<vmem>>)
      tpu.yield
    }) : () -> ()
    %add3A_124 = arith.constant 51200 : i32
    %add3A_125 = arith.addi %add3A_124, %mul3A_116 : i32
    "tpu.region"() ({
      %run_scoped3A = tpu.sem_alloc : memref<!tpu.dma_semaphore, #tpu.memory_space<semaphore_mem>>
      %dma_start3A = tpu.memref_slice %arg7[%add3A_125] : memref<76800xf32, #tpu.memory_space<hbm>> -> memref<3200xf32, #tpu.memory_space<hbm>>
      %dma_start3A_152 = tpu.memref_slice %arg7[%add3A_125] : memref<76800xf32, #tpu.memory_space<hbm>> -> memref<3200xf32, #tpu.memory_space<hbm>>
      tpu.enqueue_dma source(%dma_start3A_152 : memref<3200xf32, #tpu.memory_space<hbm>>) target(%arg18 : memref<3200xf32, #tpu.memory_space<vmem>>) target_semaphore(%run_scoped3A : memref<!tpu.dma_semaphore, #tpu.memory_space<semaphore_mem>>)
      %dma_wait3A = tpu.memref_slice %arg7[%add3A_125] : memref<76800xf32, #tpu.memory_space<hbm>> -> memref<3200xf32, #tpu.memory_space<hbm>>
      %dma_wait3A_153 = tpu.memref_slice %arg7[%add3A_125] : memref<76800xf32, #tpu.memory_space<hbm>> -> memref<3200xf32, #tpu.memory_space<hbm>>
      tpu.wait_dma2 semaphore(%run_scoped3A : memref<!tpu.dma_semaphore, #tpu.memory_space<semaphore_mem>>) src(%dma_wait3A_153 : memref<3200xf32, #tpu.memory_space<hbm>>) dst(%arg18 : memref<3200xf32, #tpu.memory_space<vmem>>)
      tpu.yield
    }) : () -> ()
    %scan3A_126 = arith.constant 0 : i32
    %scan3A_127 = arith.constant 0 : i32
    %scan3A_128 = arith.constant 200 : i32
    %scan3A_129 = arith.addi %scan3A_127, %scan3A_128 : i32
    %scan3A_130 = arith.constant 1 : i32
    %scan3A_131 = scf.for %scan3A_152 = %scan3A_127 to %scan3A_129 step %scan3A_130 iter_args(%scan3A_153 = %scan3A_126) -> (i32)  : i32 {
      %mul3A_154 = arith.constant 16 : i32
      %mul3A_155 = arith.muli %scan3A_152, %mul3A_154 : i32
      %get3A = arith.index_cast %mul3A_155 : i32 to index
      %get3A_156 = tpu.vector_load %arg12[%get3A] {strides = array<i32>} : memref<3200xi32, #tpu.memory_space<vmem>>, vector<16xi32>,
      %gather3A = tpu.vector_load_idx %arg11[%get3A_156] : memref<86016xf32, #tpu.memory_space<vmem>>[vector<16xi32>], vector<16xf32>,
      %get3A_157 = arith.index_cast %mul3A_155 : i32 to index
      %get3A_158 = tpu.vector_load %arg15[%get3A_157] {strides = array<i32>} : memref<3200xf32, #tpu.memory_space<vmem>>, vector<16xf32>,
      %sub3A_159 = arith.constant 4.000000e-02 : f32
      %sub3A_160 = vector.broadcast %sub3A_159 : f32 to vector<16xf32>
      %sub3A_161 = arith.subf %gather3A, %sub3A_160 : vector<16xf32>
      %gt3A = arith.cmpf ogt, %get3A_158, %sub3A_161 : vector<16xf32>
      %add3A_162 = arith.constant 4.000000e-02 : f32
      %add3A_163 = vector.broadcast %add3A_162 : f32 to vector<16xf32>
      %add3A_164 = arith.addf %gather3A, %add3A_163 : vector<16xf32>
      %lt3A_165 = arith.cmpf olt, %get3A_158, %add3A_164 : vector<16xf32>
      %and3A_166 = arith.andi %gt3A, %lt3A_165 : vector<16xi1>
      %get3A_167 = arith.index_cast %mul3A_155 : i32 to index
      %get3A_168 = tpu.vector_load %arg14[%get3A_167] {strides = array<i32>} : memref<3200xi32, #tpu.memory_space<vmem>>, vector<16xi32>,
      %ne3A_169 = arith.constant 0 : i32
      %ne3A_170 = vector.broadcast %ne3A_169 : i32 to vector<16xi32>
      %ne3A_171 = arith.cmpi ne, %get3A_168, %ne3A_170 : vector<16xi32>
      %and3A_172 = arith.andi %and3A_166, %ne3A_171 : vector<16xi1>
      %get3A_173 = arith.index_cast %mul3A_155 : i32 to index
      %get3A_174 = tpu.vector_load %arg13[%get3A_173] {strides = array<i32>} : memref<3200xi32, #tpu.memory_space<vmem>>, vector<16xi32>,
      %jit3A_175 = arith.constant 114688 : i32
      %broadcast_in_dim3A = vector.broadcast %jit3A_175 : i32 to vector<16xi32>
      %select_n3A_176 = arith.select %and3A_172, %get3A_174, %broadcast_in_dim3A : vector<16xi1>, vector<16xi32>
      %swap3A = arith.index_cast %mul3A_155 : i32 to index
      %swap3A_177 = tpu.vector_load %arg19[%swap3A] {strides = array<i32>} : memref<3200xi32, #tpu.memory_space<vmem>>, vector<16xi32>,
      tpu.vector_store %arg19[%swap3A], %select_n3A_176 {strides = array<i32>} : memref<3200xi32, #tpu.memory_space<vmem>>, vector<16xi32>,
      %convert_element_type3A = arith.extui %and3A_172 : vector<16xi1> to vector<16xi32>
      %swap3A_178 = arith.index_cast %mul3A_155 : i32 to index
      %swap3A_179 = tpu.vector_load %arg20[%swap3A_178] {strides = array<i32>} : memref<3200xi32, #tpu.memory_space<vmem>>, vector<16xi32>,
      tpu.vector_store %arg20[%swap3A_178], %convert_element_type3A {strides = array<i32>} : memref<3200xi32, #tpu.memory_space<vmem>>, vector<16xi32>,
      %convert_element_type3A_180 = arith.extui %and3A_172 : vector<16xi1> to vector<16xi32>
      %convert_element_type3A_181 = arith.sitofp %convert_element_type3A_180 : vector<16xi32> to vector<16xf32>
      %get3A_182 = arith.index_cast %mul3A_155 : i32 to index
      %get3A_183 = tpu.vector_load %arg16[%get3A_182] {strides = array<i32>} : memref<3200xf32, #tpu.memory_space<vmem>>, vector<16xf32>,
      %mul3A_184 = arith.mulf %get3A_183, %convert_element_type3A_181 : vector<16xf32>
      %swap3A_185 = arith.index_cast %mul3A_155 : i32 to index
      %swap3A_186 = tpu.vector_load %arg21[%swap3A_185] {strides = array<i32>} : memref<3200xf32, #tpu.memory_space<vmem>>, vector<16xf32>,
      tpu.vector_store %arg21[%swap3A_185], %mul3A_184 {strides = array<i32>} : memref<3200xf32, #tpu.memory_space<vmem>>, vector<16xf32>,
      %get3A_187 = arith.index_cast %mul3A_155 : i32 to index
      %get3A_188 = tpu.vector_load %arg17[%get3A_187] {strides = array<i32>} : memref<3200xf32, #tpu.memory_space<vmem>>, vector<16xf32>,
      %mul3A_189 = arith.mulf %get3A_188, %convert_element_type3A_181 : vector<16xf32>
      %swap3A_190 = arith.index_cast %mul3A_155 : i32 to index
      %swap3A_191 = tpu.vector_load %arg22[%swap3A_190] {strides = array<i32>} : memref<3200xf32, #tpu.memory_space<vmem>>, vector<16xf32>,
      tpu.vector_store %arg22[%swap3A_190], %mul3A_189 {strides = array<i32>} : memref<3200xf32, #tpu.memory_space<vmem>>, vector<16xf32>,
      %get3A_192 = arith.index_cast %mul3A_155 : i32 to index
      %get3A_193 = tpu.vector_load %arg18[%get3A_192] {strides = array<i32>} : memref<3200xf32, #tpu.memory_space<vmem>>, vector<16xf32>,
      %mul3A_194 = arith.mulf %get3A_193, %convert_element_type3A_181 : vector<16xf32>
      %swap3A_195 = arith.index_cast %mul3A_155 : i32 to index
      %swap3A_196 = tpu.vector_load %arg23[%swap3A_195] {strides = array<i32>} : memref<3200xf32, #tpu.memory_space<vmem>>, vector<16xf32>,
      tpu.vector_store %arg23[%swap3A_195], %mul3A_194 {strides = array<i32>} : memref<3200xf32, #tpu.memory_space<vmem>>, vector<16xf32>,
      %scan3A_197 = arith.constant 0 : i32
      scf.yield %scan3A_197 : i32
    }
    %scan3A_132 = arith.constant 200 : i32
    "tpu.region"() ({
      %run_scoped3A = tpu.sem_alloc : memref<!tpu.dma_semaphore, #tpu.memory_space<semaphore_mem>>
      %dma_start3A = tpu.memref_slice %arg8[%add3A_119] : memref<204800xi32, #tpu.memory_space<hbm>> -> memref<3200xi32, #tpu.memory_space<hbm>>
      %dma_start3A_152 = tpu.memref_slice %arg8[%add3A_119] : memref<204800xi32, #tpu.memory_space<hbm>> -> memref<3200xi32, #tpu.memory_space<hbm>>
      tpu.enqueue_dma source(%arg19 : memref<3200xi32, #tpu.memory_space<vmem>>) target(%dma_start3A_152 : memref<3200xi32, #tpu.memory_space<hbm>>) target_semaphore(%run_scoped3A : memref<!tpu.dma_semaphore, #tpu.memory_space<semaphore_mem>>)
      %dma_wait3A = tpu.memref_slice %arg8[%add3A_119] : memref<204800xi32, #tpu.memory_space<hbm>> -> memref<3200xi32, #tpu.memory_space<hbm>>
      %dma_wait3A_153 = tpu.memref_slice %arg8[%add3A_119] : memref<204800xi32, #tpu.memory_space<hbm>> -> memref<3200xi32, #tpu.memory_space<hbm>>
      tpu.wait_dma2 semaphore(%run_scoped3A : memref<!tpu.dma_semaphore, #tpu.memory_space<semaphore_mem>>) src(%arg19 : memref<3200xi32, #tpu.memory_space<vmem>>) dst(%dma_wait3A_153 : memref<3200xi32, #tpu.memory_space<hbm>>)
      tpu.yield
    }) : () -> ()
    "tpu.region"() ({
      %run_scoped3A = tpu.sem_alloc : memref<!tpu.dma_semaphore, #tpu.memory_space<semaphore_mem>>
      %dma_start3A = tpu.memref_slice %arg9[%add3A_119] : memref<204800xi32, #tpu.memory_space<hbm>> -> memref<3200xi32, #tpu.memory_space<hbm>>
      %dma_start3A_152 = tpu.memref_slice %arg9[%add3A_119] : memref<204800xi32, #tpu.memory_space<hbm>> -> memref<3200xi32, #tpu.memory_space<hbm>>
      tpu.enqueue_dma source(%arg20 : memref<3200xi32, #tpu.memory_space<vmem>>) target(%dma_start3A_152 : memref<3200xi32, #tpu.memory_space<hbm>>) target_semaphore(%run_scoped3A : memref<!tpu.dma_semaphore, #tpu.memory_space<semaphore_mem>>)
      %dma_wait3A = tpu.memref_slice %arg9[%add3A_119] : memref<204800xi32, #tpu.memory_space<hbm>> -> memref<3200xi32, #tpu.memory_space<hbm>>
      %dma_wait3A_153 = tpu.memref_slice %arg9[%add3A_119] : memref<204800xi32, #tpu.memory_space<hbm>> -> memref<3200xi32, #tpu.memory_space<hbm>>
      tpu.wait_dma2 semaphore(%run_scoped3A : memref<!tpu.dma_semaphore, #tpu.memory_space<semaphore_mem>>) src(%arg20 : memref<3200xi32, #tpu.memory_space<vmem>>) dst(%dma_wait3A_153 : memref<3200xi32, #tpu.memory_space<hbm>>)
      tpu.yield
    }) : () -> ()
    %mul3A_133 = arith.constant 3 : i32
    %mul3A_134 = arith.muli %select_n3A_98, %mul3A_133 : i32
    %mul3A_135 = arith.constant 25600 : i32
    %mul3A_136 = arith.muli %mul3A_134, %mul3A_135 : i32
    %add3A_137 = arith.addi %mul3A_136, %mul3A_116 : i32
    "tpu.region"() ({
      %run_scoped3A = tpu.sem_alloc : memref<!tpu.dma_semaphore, #tpu.memory_space<semaphore_mem>>
      %dma_start3A = tpu.memref_slice %arg10[%add3A_137] : memref<614400xf32, #tpu.memory_space<hbm>> -> memref<3200xf32, #tpu.memory_space<hbm>>
      %dma_start3A_152 = tpu.memref_slice %arg10[%add3A_137] : memref<614400xf32, #tpu.memory_space<hbm>> -> memref<3200xf32, #tpu.memory_space<hbm>>
      tpu.enqueue_dma source(%arg21 : memref<3200xf32, #tpu.memory_space<vmem>>) target(%dma_start3A_152 : memref<3200xf32, #tpu.memory_space<hbm>>) target_semaphore(%run_scoped3A : memref<!tpu.dma_semaphore, #tpu.memory_space<semaphore_mem>>)
      %dma_wait3A = tpu.memref_slice %arg10[%add3A_137] : memref<614400xf32, #tpu.memory_space<hbm>> -> memref<3200xf32, #tpu.memory_space<hbm>>
      %dma_wait3A_153 = tpu.memref_slice %arg10[%add3A_137] : memref<614400xf32, #tpu.memory_space<hbm>> -> memref<3200xf32, #tpu.memory_space<hbm>>
      tpu.wait_dma2 semaphore(%run_scoped3A : memref<!tpu.dma_semaphore, #tpu.memory_space<semaphore_mem>>) src(%arg21 : memref<3200xf32, #tpu.memory_space<vmem>>) dst(%dma_wait3A_153 : memref<3200xf32, #tpu.memory_space<hbm>>)
      tpu.yield
    }) : () -> ()
    %mul3A_138 = arith.constant 3 : i32
    %mul3A_139 = arith.muli %select_n3A_98, %mul3A_138 : i32
    %add3A_140 = arith.constant 1 : i32
    %add3A_141 = arith.addi %mul3A_139, %add3A_140 : i32
    %mul3A_142 = arith.constant 25600 : i32
    %mul3A_143 = arith.muli %add3A_141, %mul3A_142 : i32
    %add3A_144 = arith.addi %mul3A_143, %mul3A_116 : i32
    "tpu.region"() ({
      %run_scoped3A = tpu.sem_alloc : memref<!tpu.dma_semaphore, #tpu.memory_space<semaphore_mem>>
      %dma_start3A = tpu.memref_slice %arg10[%add3A_144] : memref<614400xf32, #tpu.memory_space<hbm>> -> memref<3200xf32, #tpu.memory_space<hbm>>
      %dma_start3A_152 = tpu.memref_slice %arg10[%add3A_144] : memref<614400xf32, #tpu.memory_space<hbm>> -> memref<3200xf32, #tpu.memory_space<hbm>>
      tpu.enqueue_dma source(%arg22 : memref<3200xf32, #tpu.memory_space<vmem>>) target(%dma_start3A_152 : memref<3200xf32, #tpu.memory_space<hbm>>) target_semaphore(%run_scoped3A : memref<!tpu.dma_semaphore, #tpu.memory_space<semaphore_mem>>)
      %dma_wait3A = tpu.memref_slice %arg10[%add3A_144] : memref<614400xf32, #tpu.memory_space<hbm>> -> memref<3200xf32, #tpu.memory_space<hbm>>
      %dma_wait3A_153 = tpu.memref_slice %arg10[%add3A_144] : memref<614400xf32, #tpu.memory_space<hbm>> -> memref<3200xf32, #tpu.memory_space<hbm>>
      tpu.wait_dma2 semaphore(%run_scoped3A : memref<!tpu.dma_semaphore, #tpu.memory_space<semaphore_mem>>) src(%arg22 : memref<3200xf32, #tpu.memory_space<vmem>>) dst(%dma_wait3A_153 : memref<3200xf32, #tpu.memory_space<hbm>>)
      tpu.yield
    }) : () -> ()
    %mul3A_145 = arith.constant 3 : i32
    %mul3A_146 = arith.muli %select_n3A_98, %mul3A_145 : i32
    %add3A_147 = arith.constant 2 : i32
    %add3A_148 = arith.addi %mul3A_146, %add3A_147 : i32
    %mul3A_149 = arith.constant 25600 : i32
    %mul3A_150 = arith.muli %add3A_148, %mul3A_149 : i32
    %add3A_151 = arith.addi %mul3A_150, %mul3A_116 : i32
    "tpu.region"() ({
      %run_scoped3A = tpu.sem_alloc : memref<!tpu.dma_semaphore, #tpu.memory_space<semaphore_mem>>
      %dma_start3A = tpu.memref_slice %arg10[%add3A_151] : memref<614400xf32, #tpu.memory_space<hbm>> -> memref<3200xf32, #tpu.memory_space<hbm>>
      %dma_start3A_152 = tpu.memref_slice %arg10[%add3A_151] : memref<614400xf32, #tpu.memory_space<hbm>> -> memref<3200xf32, #tpu.memory_space<hbm>>
      tpu.enqueue_dma source(%arg23 : memref<3200xf32, #tpu.memory_space<vmem>>) target(%dma_start3A_152 : memref<3200xf32, #tpu.memory_space<hbm>>) target_semaphore(%run_scoped3A : memref<!tpu.dma_semaphore, #tpu.memory_space<semaphore_mem>>)
      %dma_wait3A = tpu.memref_slice %arg10[%add3A_151] : memref<614400xf32, #tpu.memory_space<hbm>> -> memref<3200xf32, #tpu.memory_space<hbm>>
      %dma_wait3A_153 = tpu.memref_slice %arg10[%add3A_151] : memref<614400xf32, #tpu.memory_space<hbm>> -> memref<3200xf32, #tpu.memory_space<hbm>>
      tpu.wait_dma2 semaphore(%run_scoped3A : memref<!tpu.dma_semaphore, #tpu.memory_space<semaphore_mem>>) src(%arg23 : memref<3200xf32, #tpu.memory_space<vmem>>) dst(%dma_wait3A_153 : memref<3200xf32, #tpu.memory_space<hbm>>)
      tpu.yield
    }) : () -> ()
    return
  }
}

#map = affine_map<(d0, d1) -> (0, 0, 0, 0)>
#map1 = affine_map<(d0, d1) -> (0)>
module attributes {stable_mosaic.version = 14 : i64} {
  func.func @backproject_gather_sc(%arg0: i32, %arg1: i32, %arg2: memref<8x128x224x384xf32, #tpu.memory_space<hbm>>, %arg3: memref<204800xi32, #tpu.memory_space<hbm>>, %arg4: memref<26214400xf32, #tpu.memory_space<hbm>>, %arg5: memref<225x384xf32, #tpu.memory_space<vmem>>, %arg6: memref<25600xi32, #tpu.memory_space<vmem>>, %arg7: memref<6400xf32, #tpu.memory_space<vmem>>, %arg8: memref<6400xf32, #tpu.memory_space<vmem>>, %arg9: memref<!tpu.dma_semaphore, #tpu.memory_space<semaphore_mem>>, %arg10: memref<!tpu.dma_semaphore, #tpu.memory_space<semaphore_mem>>) attributes {dimension_semantics = [#tpu.dimension_semantics<core_parallel>, #tpu.dimension_semantics<subcore_parallel>], iteration_bounds = array<i64: 2, 16>, scalar_prefetch = 0 : i64, scratch_operands = 6 : i64, tpu.core_type = #tpu.core_type<sc_vector_subcore>, window_params = [{transform_indices = #map}, {transform_indices = #map1}, {transform_indices = #map1}]} {
    %mul3A = arith.constant 2 : i32
    %mul3A_0 = arith.muli %arg1, %mul3A : i32
    %add3A = arith.addi %mul3A_0, %arg0 : i32
    %jit3A = arith.constant 4 : i32
    %div3A = arith.divsi %add3A, %jit3A : i32
    %sign3A = arith.constant 0 : i32
    %sign3A_1 = arith.cmpi sgt, %add3A, %sign3A : i32
    %sign3A_2 = arith.extui %sign3A_1 : i1 to i32
    %sign3A_3 = arith.constant 0 : i32
    %sign3A_4 = arith.cmpi slt, %add3A, %sign3A_3 : i32
    %sign3A_5 = arith.extui %sign3A_4 : i1 to i32
    %sign3A_6 = arith.subi %sign3A_2, %sign3A_5 : i32
    %sign3A_7 = arith.constant 0 : i32
    %sign3A_8 = arith.cmpi sgt, %jit3A, %sign3A_7 : i32
    %sign3A_9 = arith.extui %sign3A_8 : i1 to i32
    %sign3A_10 = arith.constant 0 : i32
    %sign3A_11 = arith.cmpi slt, %jit3A, %sign3A_10 : i32
    %sign3A_12 = arith.extui %sign3A_11 : i1 to i32
    %sign3A_13 = arith.subi %sign3A_9, %sign3A_12 : i32
    %ne3A = arith.cmpi ne, %sign3A_6, %sign3A_13 : i32
    %rem3A = arith.remsi %add3A, %jit3A : i32
    %ne3A_14 = arith.constant 0 : i32
    %ne3A_15 = arith.cmpi ne, %rem3A, %ne3A_14 : i32
    %and3A = arith.andi %ne3A, %ne3A_15 : i1
    %sub3A = arith.constant 1 : i32
    %sub3A_16 = arith.subi %div3A, %sub3A : i32
    %select_n3A = arith.select %and3A, %sub3A_16, %div3A : i32
    %jit3A_17 = arith.constant 4 : i32
    %eq3A = arith.constant 0 : i32
    %eq3A_18 = arith.cmpi eq, %jit3A_17, %eq3A : i32
    %jit3A_19 = arith.constant 1 : i32
    %select_n3A_20 = arith.select %eq3A_18, %jit3A_19, %jit3A_17 : i32
    %rem3A_21 = arith.remsi %add3A, %select_n3A_20 : i32
    %ne3A_22 = arith.constant 0 : i32
    %ne3A_23 = arith.cmpi ne, %rem3A_21, %ne3A_22 : i32
    %lt3A = arith.constant 0 : i32
    %lt3A_24 = arith.cmpi slt, %rem3A_21, %lt3A : i32
    %lt3A_25 = arith.constant 0 : i32
    %lt3A_26 = arith.cmpi slt, %select_n3A_20, %lt3A_25 : i32
    %ne3A_27 = arith.xori %lt3A_24, %lt3A_26 : i1
    %and3A_28 = arith.andi %ne3A_27, %ne3A_23 : i1
    %add3A_29 = arith.addi %rem3A_21, %select_n3A_20 : i32
    %select_n3A_30 = arith.select %and3A_28, %add3A_29, %rem3A_21 : i32
    %mul3A_31 = arith.constant 32 : i32
    %mul3A_32 = arith.muli %select_n3A_30, %mul3A_31 : i32
    %mul3A_33 = arith.constant 25600 : i32
    %mul3A_34 = arith.muli %select_n3A, %mul3A_33 : i32
    "tpu.region"() ({
      %run_scoped3A = tpu.sem_alloc : memref<!tpu.dma_semaphore, #tpu.memory_space<semaphore_mem>>
      %dma_start3A = tpu.memref_slice %arg3[%mul3A_34] : memref<204800xi32, #tpu.memory_space<hbm>> -> memref<25600xi32, #tpu.memory_space<hbm>>
      %dma_start3A_52 = tpu.memref_slice %arg3[%mul3A_34] : memref<204800xi32, #tpu.memory_space<hbm>> -> memref<25600xi32, #tpu.memory_space<hbm>>
      tpu.enqueue_dma source(%dma_start3A_52 : memref<25600xi32, #tpu.memory_space<hbm>>) target(%arg6 : memref<25600xi32, #tpu.memory_space<vmem>>) target_semaphore(%run_scoped3A : memref<!tpu.dma_semaphore, #tpu.memory_space<semaphore_mem>>)
      %dma_wait3A_53 = tpu.memref_slice %arg3[%mul3A_34] : memref<204800xi32, #tpu.memory_space<hbm>> -> memref<25600xi32, #tpu.memory_space<hbm>>
      %dma_wait3A_54 = tpu.memref_slice %arg3[%mul3A_34] : memref<204800xi32, #tpu.memory_space<hbm>> -> memref<25600xi32, #tpu.memory_space<hbm>>
      tpu.wait_dma2 semaphore(%run_scoped3A : memref<!tpu.dma_semaphore, #tpu.memory_space<semaphore_mem>>) src(%dma_wait3A_54 : memref<25600xi32, #tpu.memory_space<hbm>>) dst(%arg6 : memref<25600xi32, #tpu.memory_space<vmem>>)
      tpu.yield
    }) : () -> ()
    %broadcast_in_dim3A = arith.constant 0.000000e+00 : f32
    %broadcast_in_dim3A_35 = vector.broadcast %broadcast_in_dim3A : f32 to vector<16xf32>
    %swap3A = arith.constant 224 : i32
    %swap3A_36 = arith.index_cast %swap3A : i32 to index
    %swap3A_37 = arith.constant 0 : index
    %swap3A_38 = tpu.vector_load %arg5[%swap3A_36, %swap3A_37] {strides = array<i32>} : memref<225x384xf32, #tpu.memory_space<vmem>>, vector<16xf32>,
    tpu.vector_store %arg5[%swap3A_36, %swap3A_37], %broadcast_in_dim3A_35 {strides = array<i32>} : memref<225x384xf32, #tpu.memory_space<vmem>>, vector<16xf32>,
    %scan3A = arith.constant 0 : i32
    %scan3A_39 = arith.constant 0 : i32
    %scan3A_40 = arith.constant 32 : i32
    %scan3A_41 = arith.addi %scan3A_39, %scan3A_40 : i32
    %scan3A_42 = arith.constant 1 : i32
    %scan3A_43 = scf.for %scan3A_52 = %scan3A_39 to %scan3A_41 step %scan3A_42 iter_args(%scan3A_53 = %scan3A) -> (i32)  : i32 {
      %add3A_54 = arith.addi %mul3A_32, %scan3A_52 : i32
      %mul3A_55 = arith.constant 128 : i32
      %mul3A_56 = arith.muli %select_n3A, %mul3A_55 : i32
      %add3A_57 = arith.addi %mul3A_56, %add3A_54 : i32
      "tpu.region"() ({
        %run_scoped3A = tpu.sem_alloc : memref<!tpu.dma_semaphore, #tpu.memory_space<semaphore_mem>>
        %dma_start3A_116 = arith.constant 0 : i32
        %dma_start3A_117 = arith.constant 0 : i32
        %dma_start3A_118 = tpu.memref_slice %arg5[%dma_start3A_116, %dma_start3A_117] : memref<225x384xf32, #tpu.memory_space<vmem>> -> memref<224x384xf32, #tpu.memory_space<vmem>>
        %dma_start3A_119 = arith.constant 0 : i32
        %dma_start3A_120 = arith.constant 0 : i32
        %dma_start3A_121 = tpu.memref_slice %arg2[%select_n3A, %add3A_54, %dma_start3A_119, %dma_start3A_120] : memref<8x128x224x384xf32, #tpu.memory_space<hbm>> -> memref<1x1x224x384xf32, #tpu.memory_space<hbm>>
        %dma_start3A_122 = tpu.memref_squeeze %dma_start3A_121 : memref<1x1x224x384xf32, #tpu.memory_space<hbm>> -> memref<224x384xf32, #tpu.memory_space<hbm>>
        %dma_start3A_123 = arith.constant 0 : i32
        %dma_start3A_124 = arith.constant 0 : i32
        %dma_start3A_125 = tpu.memref_slice %arg5[%dma_start3A_123, %dma_start3A_124] : memref<225x384xf32, #tpu.memory_space<vmem>> -> memref<224x384xf32, #tpu.memory_space<vmem>>
        %dma_start3A_126 = arith.constant 0 : i32
        %dma_start3A_127 = arith.constant 0 : i32
        %dma_start3A_128 = tpu.memref_slice %arg2[%select_n3A, %add3A_54, %dma_start3A_126, %dma_start3A_127] : memref<8x128x224x384xf32, #tpu.memory_space<hbm>> -> memref<1x1x224x384xf32, #tpu.memory_space<hbm>>
        %dma_start3A_129 = tpu.memref_squeeze %dma_start3A_128 : memref<1x1x224x384xf32, #tpu.memory_space<hbm>> -> memref<224x384xf32, #tpu.memory_space<hbm>>
        tpu.enqueue_dma source(%dma_start3A_129 : memref<224x384xf32, #tpu.memory_space<hbm>>) target(%dma_start3A_125 : memref<224x384xf32, #tpu.memory_space<vmem>>) target_semaphore(%run_scoped3A : memref<!tpu.dma_semaphore, #tpu.memory_space<semaphore_mem>>)
        %dma_wait3A_130 = arith.constant 0 : i32
        %dma_wait3A_131 = arith.constant 0 : i32
        %dma_wait3A_132 = tpu.memref_slice %arg5[%dma_wait3A_130, %dma_wait3A_131] : memref<225x384xf32, #tpu.memory_space<vmem>> -> memref<224x384xf32, #tpu.memory_space<vmem>>
        %dma_wait3A_133 = arith.constant 0 : i32
        %dma_wait3A_134 = arith.constant 0 : i32
        %dma_wait3A_135 = tpu.memref_slice %arg2[%select_n3A, %add3A_54, %dma_wait3A_133, %dma_wait3A_134] : memref<8x128x224x384xf32, #tpu.memory_space<hbm>> -> memref<1x1x224x384xf32, #tpu.memory_space<hbm>>
        %dma_wait3A_136 = tpu.memref_squeeze %dma_wait3A_135 : memref<1x1x224x384xf32, #tpu.memory_space<hbm>> -> memref<224x384xf32, #tpu.memory_space<hbm>>
        %dma_wait3A_137 = arith.constant 0 : i32
        %dma_wait3A_138 = arith.constant 0 : i32
        %dma_wait3A_139 = tpu.memref_slice %arg5[%dma_wait3A_137, %dma_wait3A_138] : memref<225x384xf32, #tpu.memory_space<vmem>> -> memref<224x384xf32, #tpu.memory_space<vmem>>
        %dma_wait3A_140 = arith.constant 0 : i32
        %dma_wait3A_141 = arith.constant 0 : i32
        %dma_wait3A_142 = tpu.memref_slice %arg2[%select_n3A, %add3A_54, %dma_wait3A_140, %dma_wait3A_141] : memref<8x128x224x384xf32, #tpu.memory_space<hbm>> -> memref<1x1x224x384xf32, #tpu.memory_space<hbm>>
        %dma_wait3A_143 = tpu.memref_squeeze %dma_wait3A_142 : memref<1x1x224x384xf32, #tpu.memory_space<hbm>> -> memref<224x384xf32, #tpu.memory_space<hbm>>
        tpu.wait_dma2 semaphore(%run_scoped3A : memref<!tpu.dma_semaphore, #tpu.memory_space<semaphore_mem>>) src(%dma_wait3A_143 : memref<224x384xf32, #tpu.memory_space<hbm>>) dst(%dma_wait3A_139 : memref<224x384xf32, #tpu.memory_space<vmem>>)
        tpu.yield
      }) : () -> ()
      %gt3A = arith.constant 0 : i32
      %gt3A_58 = arith.cmpi sgt, %scan3A_52, %gt3A : i32
      %convert_element_type3A = arith.extui %gt3A_58 : i1 to i32
      %cond3A = arith.constant 0 : i32
      %cond3A_59 = arith.cmpi ne, %convert_element_type3A, %cond3A : i32
      scf.if %cond3A_59 {
        %dma_wait3A_116 = arith.constant 0 : i32
        %dma_wait3A_117 = tpu.memref_slice %arg4[%dma_wait3A_116] : memref<26214400xf32, #tpu.memory_space<hbm>> -> memref<6400xf32, #tpu.memory_space<hbm>>
        %dma_wait3A_118 = arith.constant 0 : i32
        %dma_wait3A_119 = tpu.memref_slice %arg4[%dma_wait3A_118] : memref<26214400xf32, #tpu.memory_space<hbm>> -> memref<6400xf32, #tpu.memory_space<hbm>>
        tpu.wait_dma2 semaphore(%arg9 : memref<!tpu.dma_semaphore, #tpu.memory_space<semaphore_mem>>) src(%dma_wait3A_119 : memref<6400xf32, #tpu.memory_space<hbm>>) dst(%arg7 : memref<6400xf32, #tpu.memory_space<vmem>>)
        %dma_wait3A_120 = arith.constant 0 : i32
        %dma_wait3A_121 = tpu.memref_slice %arg4[%dma_wait3A_120] : memref<26214400xf32, #tpu.memory_space<hbm>> -> memref<6400xf32, #tpu.memory_space<hbm>>
        %dma_wait3A_122 = arith.constant 0 : i32
        %dma_wait3A_123 = tpu.memref_slice %arg4[%dma_wait3A_122] : memref<26214400xf32, #tpu.memory_space<hbm>> -> memref<6400xf32, #tpu.memory_space<hbm>>
        tpu.wait_dma2 semaphore(%arg10 : memref<!tpu.dma_semaphore, #tpu.memory_space<semaphore_mem>>) src(%dma_wait3A_123 : memref<6400xf32, #tpu.memory_space<hbm>>) dst(%arg8 : memref<6400xf32, #tpu.memory_space<vmem>>)
      } else {
      }
      %scan3A_60 = arith.constant 0 : i32
      %scan3A_61 = arith.constant 0 : i32
      %scan3A_62 = arith.constant 100 : i32
      %scan3A_63 = arith.addi %scan3A_61, %scan3A_62 : i32
      %scan3A_64 = arith.constant 1 : i32
      %scan3A_65 = scf.for %scan3A_116 = %scan3A_61 to %scan3A_63 step %scan3A_64 iter_args(%scan3A_117 = %scan3A_60) -> (i32)  : i32 {
        %mul3A_118 = arith.constant 64 : i32
        %mul3A_119 = arith.muli %scan3A_116, %mul3A_118 : i32
        %add3A_120 = arith.constant 0 : i32
        %add3A_121 = arith.addi %mul3A_119, %add3A_120 : i32
        %add3A_122 = arith.constant 0 : i32
        %add3A_123 = arith.addi %add3A_122, %add3A_121 : i32
        %get3A = arith.index_cast %add3A_123 : i32 to index
        %get3A_124 = tpu.vector_load %arg6[%get3A] {strides = array<i32>} : memref<25600xi32, #tpu.memory_space<vmem>>, vector<16xi32>,
        %shift_right_arithmetic3A = arith.constant 9 : i32
        %shift_right_arithmetic3A_125 = vector.broadcast %shift_right_arithmetic3A : i32 to vector<16xi32>
        %shift_right_arithmetic3A_126 = arith.shrsi %get3A_124, %shift_right_arithmetic3A_125 : vector<16xi32>
        %and3A_127 = arith.constant 511 : i32
        %and3A_128 = vector.broadcast %and3A_127 : i32 to vector<16xi32>
        %and3A_129 = arith.andi %get3A_124, %and3A_128 : vector<16xi32>
        %gather3A = tpu.vector_load_idx %arg5[%shift_right_arithmetic3A_126, %and3A_129] : memref<225x384xf32, #tpu.memory_space<vmem>>[vector<16xi32>, vector<16xi32>], vector<16xf32>,
        %swap3A_130 = arith.index_cast %add3A_121 : i32 to index
        %swap3A_131 = tpu.vector_load %arg7[%swap3A_130] {strides = array<i32>} : memref<6400xf32, #tpu.memory_space<vmem>>, vector<16xf32>,
        tpu.vector_store %arg7[%swap3A_130], %gather3A {strides = array<i32>} : memref<6400xf32, #tpu.memory_space<vmem>>, vector<16xf32>,
        %mul3A_132 = arith.constant 64 : i32
        %mul3A_133 = arith.muli %scan3A_116, %mul3A_132 : i32
        %add3A_134 = arith.constant 16 : i32
        %add3A_135 = arith.addi %mul3A_133, %add3A_134 : i32
        %add3A_136 = arith.constant 0 : i32
        %add3A_137 = arith.addi %add3A_136, %add3A_135 : i32
        %get3A_138 = arith.index_cast %add3A_137 : i32 to index
        %get3A_139 = tpu.vector_load %arg6[%get3A_138] {strides = array<i32>} : memref<25600xi32, #tpu.memory_space<vmem>>, vector<16xi32>,
        %shift_right_arithmetic3A_140 = arith.constant 9 : i32
        %shift_right_arithmetic3A_141 = vector.broadcast %shift_right_arithmetic3A_140 : i32 to vector<16xi32>
        %shift_right_arithmetic3A_142 = arith.shrsi %get3A_139, %shift_right_arithmetic3A_141 : vector<16xi32>
        %and3A_143 = arith.constant 511 : i32
        %and3A_144 = vector.broadcast %and3A_143 : i32 to vector<16xi32>
        %and3A_145 = arith.andi %get3A_139, %and3A_144 : vector<16xi32>
        %gather3A_146 = tpu.vector_load_idx %arg5[%shift_right_arithmetic3A_142, %and3A_145] : memref<225x384xf32, #tpu.memory_space<vmem>>[vector<16xi32>, vector<16xi32>], vector<16xf32>,
        %swap3A_147 = arith.index_cast %add3A_135 : i32 to index
        %swap3A_148 = tpu.vector_load %arg7[%swap3A_147] {strides = array<i32>} : memref<6400xf32, #tpu.memory_space<vmem>>, vector<16xf32>,
        tpu.vector_store %arg7[%swap3A_147], %gather3A_146 {strides = array<i32>} : memref<6400xf32, #tpu.memory_space<vmem>>, vector<16xf32>,
        %mul3A_149 = arith.constant 64 : i32
        %mul3A_150 = arith.muli %scan3A_116, %mul3A_149 : i32
        %add3A_151 = arith.constant 32 : i32
        %add3A_152 = arith.addi %mul3A_150, %add3A_151 : i32
        %add3A_153 = arith.constant 0 : i32
        %add3A_154 = arith.addi %add3A_153, %add3A_152 : i32
        %get3A_155 = arith.index_cast %add3A_154 : i32 to index
        %get3A_156 = tpu.vector_load %arg6[%get3A_155] {strides = array<i32>} : memref<25600xi32, #tpu.memory_space<vmem>>, vector<16xi32>,
        %shift_right_arithmetic3A_157 = arith.constant 9 : i32
        %shift_right_arithmetic3A_158 = vector.broadcast %shift_right_arithmetic3A_157 : i32 to vector<16xi32>
        %shift_right_arithmetic3A_159 = arith.shrsi %get3A_156, %shift_right_arithmetic3A_158 : vector<16xi32>
        %and3A_160 = arith.constant 511 : i32
        %and3A_161 = vector.broadcast %and3A_160 : i32 to vector<16xi32>
        %and3A_162 = arith.andi %get3A_156, %and3A_161 : vector<16xi32>
        %gather3A_163 = tpu.vector_load_idx %arg5[%shift_right_arithmetic3A_159, %and3A_162] : memref<225x384xf32, #tpu.memory_space<vmem>>[vector<16xi32>, vector<16xi32>], vector<16xf32>,
        %swap3A_164 = arith.index_cast %add3A_152 : i32 to index
        %swap3A_165 = tpu.vector_load %arg7[%swap3A_164] {strides = array<i32>} : memref<6400xf32, #tpu.memory_space<vmem>>, vector<16xf32>,
        tpu.vector_store %arg7[%swap3A_164], %gather3A_163 {strides = array<i32>} : memref<6400xf32, #tpu.memory_space<vmem>>, vector<16xf32>,
        %mul3A_166 = arith.constant 64 : i32
        %mul3A_167 = arith.muli %scan3A_116, %mul3A_166 : i32
        %add3A_168 = arith.constant 48 : i32
        %add3A_169 = arith.addi %mul3A_167, %add3A_168 : i32
        %add3A_170 = arith.constant 0 : i32
        %add3A_171 = arith.addi %add3A_170, %add3A_169 : i32
        %get3A_172 = arith.index_cast %add3A_171 : i32 to index
        %get3A_173 = tpu.vector_load %arg6[%get3A_172] {strides = array<i32>} : memref<25600xi32, #tpu.memory_space<vmem>>, vector<16xi32>,
        %shift_right_arithmetic3A_174 = arith.constant 9 : i32
        %shift_right_arithmetic3A_175 = vector.broadcast %shift_right_arithmetic3A_174 : i32 to vector<16xi32>
        %shift_right_arithmetic3A_176 = arith.shrsi %get3A_173, %shift_right_arithmetic3A_175 : vector<16xi32>
        %and3A_177 = arith.constant 511 : i32
        %and3A_178 = vector.broadcast %and3A_177 : i32 to vector<16xi32>
        %and3A_179 = arith.andi %get3A_173, %and3A_178 : vector<16xi32>
        %gather3A_180 = tpu.vector_load_idx %arg5[%shift_right_arithmetic3A_176, %and3A_179] : memref<225x384xf32, #tpu.memory_space<vmem>>[vector<16xi32>, vector<16xi32>], vector<16xf32>,
        %swap3A_181 = arith.index_cast %add3A_169 : i32 to index
        %swap3A_182 = tpu.vector_load %arg7[%swap3A_181] {strides = array<i32>} : memref<6400xf32, #tpu.memory_space<vmem>>, vector<16xf32>,
        tpu.vector_store %arg7[%swap3A_181], %gather3A_180 {strides = array<i32>} : memref<6400xf32, #tpu.memory_space<vmem>>, vector<16xf32>,
        %scan3A_183 = arith.constant 0 : i32
        scf.yield %scan3A_183 : i32
      }
      %scan3A_66 = arith.constant 100 : i32
      %mul3A_67 = arith.constant 25600 : i32
      %mul3A_68 = arith.muli %add3A_57, %mul3A_67 : i32
      %add3A_69 = arith.constant 0 : i32
      %add3A_70 = arith.addi %mul3A_68, %add3A_69 : i32
      %dma_start3A = tpu.memref_slice %arg4[%add3A_70] : memref<26214400xf32, #tpu.memory_space<hbm>> -> memref<6400xf32, #tpu.memory_space<hbm>>
      %dma_start3A_71 = tpu.memref_slice %arg4[%add3A_70] : memref<26214400xf32, #tpu.memory_space<hbm>> -> memref<6400xf32, #tpu.memory_space<hbm>>
      tpu.enqueue_dma source(%arg7 : memref<6400xf32, #tpu.memory_space<vmem>>) target(%dma_start3A_71 : memref<6400xf32, #tpu.memory_space<hbm>>) target_semaphore(%arg9 : memref<!tpu.dma_semaphore, #tpu.memory_space<semaphore_mem>>)
      %scan3A_72 = arith.constant 0 : i32
      %scan3A_73 = arith.constant 0 : i32
      %scan3A_74 = arith.constant 100 : i32
      %scan3A_75 = arith.addi %scan3A_73, %scan3A_74 : i32
      %scan3A_76 = arith.constant 1 : i32
      %scan3A_77 = scf.for %scan3A_116 = %scan3A_73 to %scan3A_75 step %scan3A_76 iter_args(%scan3A_117 = %scan3A_72) -> (i32)  : i32 {
        %mul3A_118 = arith.constant 64 : i32
        %mul3A_119 = arith.muli %scan3A_116, %mul3A_118 : i32
        %add3A_120 = arith.constant 0 : i32
        %add3A_121 = arith.addi %mul3A_119, %add3A_120 : i32
        %add3A_122 = arith.constant 6400 : i32
        %add3A_123 = arith.addi %add3A_122, %add3A_121 : i32
        %get3A = arith.index_cast %add3A_123 : i32 to index
        %get3A_124 = tpu.vector_load %arg6[%get3A] {strides = array<i32>} : memref<25600xi32, #tpu.memory_space<vmem>>, vector<16xi32>,
        %shift_right_arithmetic3A = arith.constant 9 : i32
        %shift_right_arithmetic3A_125 = vector.broadcast %shift_right_arithmetic3A : i32 to vector<16xi32>
        %shift_right_arithmetic3A_126 = arith.shrsi %get3A_124, %shift_right_arithmetic3A_125 : vector<16xi32>
        %and3A_127 = arith.constant 511 : i32
        %and3A_128 = vector.broadcast %and3A_127 : i32 to vector<16xi32>
        %and3A_129 = arith.andi %get3A_124, %and3A_128 : vector<16xi32>
        %gather3A = tpu.vector_load_idx %arg5[%shift_right_arithmetic3A_126, %and3A_129] : memref<225x384xf32, #tpu.memory_space<vmem>>[vector<16xi32>, vector<16xi32>], vector<16xf32>,
        %swap3A_130 = arith.index_cast %add3A_121 : i32 to index
        %swap3A_131 = tpu.vector_load %arg8[%swap3A_130] {strides = array<i32>} : memref<6400xf32, #tpu.memory_space<vmem>>, vector<16xf32>,
        tpu.vector_store %arg8[%swap3A_130], %gather3A {strides = array<i32>} : memref<6400xf32, #tpu.memory_space<vmem>>, vector<16xf32>,
        %mul3A_132 = arith.constant 64 : i32
        %mul3A_133 = arith.muli %scan3A_116, %mul3A_132 : i32
        %add3A_134 = arith.constant 16 : i32
        %add3A_135 = arith.addi %mul3A_133, %add3A_134 : i32
        %add3A_136 = arith.constant 6400 : i32
        %add3A_137 = arith.addi %add3A_136, %add3A_135 : i32
        %get3A_138 = arith.index_cast %add3A_137 : i32 to index
        %get3A_139 = tpu.vector_load %arg6[%get3A_138] {strides = array<i32>} : memref<25600xi32, #tpu.memory_space<vmem>>, vector<16xi32>,
        %shift_right_arithmetic3A_140 = arith.constant 9 : i32
        %shift_right_arithmetic3A_141 = vector.broadcast %shift_right_arithmetic3A_140 : i32 to vector<16xi32>
        %shift_right_arithmetic3A_142 = arith.shrsi %get3A_139, %shift_right_arithmetic3A_141 : vector<16xi32>
        %and3A_143 = arith.constant 511 : i32
        %and3A_144 = vector.broadcast %and3A_143 : i32 to vector<16xi32>
        %and3A_145 = arith.andi %get3A_139, %and3A_144 : vector<16xi32>
        %gather3A_146 = tpu.vector_load_idx %arg5[%shift_right_arithmetic3A_142, %and3A_145] : memref<225x384xf32, #tpu.memory_space<vmem>>[vector<16xi32>, vector<16xi32>], vector<16xf32>,
        %swap3A_147 = arith.index_cast %add3A_135 : i32 to index
        %swap3A_148 = tpu.vector_load %arg8[%swap3A_147] {strides = array<i32>} : memref<6400xf32, #tpu.memory_space<vmem>>, vector<16xf32>,
        tpu.vector_store %arg8[%swap3A_147], %gather3A_146 {strides = array<i32>} : memref<6400xf32, #tpu.memory_space<vmem>>, vector<16xf32>,
        %mul3A_149 = arith.constant 64 : i32
        %mul3A_150 = arith.muli %scan3A_116, %mul3A_149 : i32
        %add3A_151 = arith.constant 32 : i32
        %add3A_152 = arith.addi %mul3A_150, %add3A_151 : i32
        %add3A_153 = arith.constant 6400 : i32
        %add3A_154 = arith.addi %add3A_153, %add3A_152 : i32
        %get3A_155 = arith.index_cast %add3A_154 : i32 to index
        %get3A_156 = tpu.vector_load %arg6[%get3A_155] {strides = array<i32>} : memref<25600xi32, #tpu.memory_space<vmem>>, vector<16xi32>,
        %shift_right_arithmetic3A_157 = arith.constant 9 : i32
        %shift_right_arithmetic3A_158 = vector.broadcast %shift_right_arithmetic3A_157 : i32 to vector<16xi32>
        %shift_right_arithmetic3A_159 = arith.shrsi %get3A_156, %shift_right_arithmetic3A_158 : vector<16xi32>
        %and3A_160 = arith.constant 511 : i32
        %and3A_161 = vector.broadcast %and3A_160 : i32 to vector<16xi32>
        %and3A_162 = arith.andi %get3A_156, %and3A_161 : vector<16xi32>
        %gather3A_163 = tpu.vector_load_idx %arg5[%shift_right_arithmetic3A_159, %and3A_162] : memref<225x384xf32, #tpu.memory_space<vmem>>[vector<16xi32>, vector<16xi32>], vector<16xf32>,
        %swap3A_164 = arith.index_cast %add3A_152 : i32 to index
        %swap3A_165 = tpu.vector_load %arg8[%swap3A_164] {strides = array<i32>} : memref<6400xf32, #tpu.memory_space<vmem>>, vector<16xf32>,
        tpu.vector_store %arg8[%swap3A_164], %gather3A_163 {strides = array<i32>} : memref<6400xf32, #tpu.memory_space<vmem>>, vector<16xf32>,
        %mul3A_166 = arith.constant 64 : i32
        %mul3A_167 = arith.muli %scan3A_116, %mul3A_166 : i32
        %add3A_168 = arith.constant 48 : i32
        %add3A_169 = arith.addi %mul3A_167, %add3A_168 : i32
        %add3A_170 = arith.constant 6400 : i32
        %add3A_171 = arith.addi %add3A_170, %add3A_169 : i32
        %get3A_172 = arith.index_cast %add3A_171 : i32 to index
        %get3A_173 = tpu.vector_load %arg6[%get3A_172] {strides = array<i32>} : memref<25600xi32, #tpu.memory_space<vmem>>, vector<16xi32>,
        %shift_right_arithmetic3A_174 = arith.constant 9 : i32
        %shift_right_arithmetic3A_175 = vector.broadcast %shift_right_arithmetic3A_174 : i32 to vector<16xi32>
        %shift_right_arithmetic3A_176 = arith.shrsi %get3A_173, %shift_right_arithmetic3A_175 : vector<16xi32>
        %and3A_177 = arith.constant 511 : i32
        %and3A_178 = vector.broadcast %and3A_177 : i32 to vector<16xi32>
        %and3A_179 = arith.andi %get3A_173, %and3A_178 : vector<16xi32>
        %gather3A_180 = tpu.vector_load_idx %arg5[%shift_right_arithmetic3A_176, %and3A_179] : memref<225x384xf32, #tpu.memory_space<vmem>>[vector<16xi32>, vector<16xi32>], vector<16xf32>,
        %swap3A_181 = arith.index_cast %add3A_169 : i32 to index
        %swap3A_182 = tpu.vector_load %arg8[%swap3A_181] {strides = array<i32>} : memref<6400xf32, #tpu.memory_space<vmem>>, vector<16xf32>,
        tpu.vector_store %arg8[%swap3A_181], %gather3A_180 {strides = array<i32>} : memref<6400xf32, #tpu.memory_space<vmem>>, vector<16xf32>,
        %scan3A_183 = arith.constant 0 : i32
        scf.yield %scan3A_183 : i32
      }
      %scan3A_78 = arith.constant 100 : i32
      %mul3A_79 = arith.constant 25600 : i32
      %mul3A_80 = arith.muli %add3A_57, %mul3A_79 : i32
      %add3A_81 = arith.constant 6400 : i32
      %add3A_82 = arith.addi %mul3A_80, %add3A_81 : i32
      %dma_start3A_83 = tpu.memref_slice %arg4[%add3A_82] : memref<26214400xf32, #tpu.memory_space<hbm>> -> memref<6400xf32, #tpu.memory_space<hbm>>
      %dma_start3A_84 = tpu.memref_slice %arg4[%add3A_82] : memref<26214400xf32, #tpu.memory_space<hbm>> -> memref<6400xf32, #tpu.memory_space<hbm>>
      tpu.enqueue_dma source(%arg8 : memref<6400xf32, #tpu.memory_space<vmem>>) target(%dma_start3A_84 : memref<6400xf32, #tpu.memory_space<hbm>>) target_semaphore(%arg10 : memref<!tpu.dma_semaphore, #tpu.memory_space<semaphore_mem>>)
      %dma_wait3A_85 = tpu.memref_slice %arg4[%add3A_70] : memref<26214400xf32, #tpu.memory_space<hbm>> -> memref<6400xf32, #tpu.memory_space<hbm>>
      %dma_wait3A_86 = tpu.memref_slice %arg4[%add3A_70] : memref<26214400xf32, #tpu.memory_space<hbm>> -> memref<6400xf32, #tpu.memory_space<hbm>>
      tpu.wait_dma2 semaphore(%arg9 : memref<!tpu.dma_semaphore, #tpu.memory_space<semaphore_mem>>) src(%arg7 : memref<6400xf32, #tpu.memory_space<vmem>>) dst(%dma_wait3A_86 : memref<6400xf32, #tpu.memory_space<hbm>>)
      %scan3A_87 = arith.constant 0 : i32
      %scan3A_88 = arith.constant 0 : i32
      %scan3A_89 = arith.constant 100 : i32
      %scan3A_90 = arith.addi %scan3A_88, %scan3A_89 : i32
      %scan3A_91 = arith.constant 1 : i32
      %scan3A_92 = scf.for %scan3A_116 = %scan3A_88 to %scan3A_90 step %scan3A_91 iter_args(%scan3A_117 = %scan3A_87) -> (i32)  : i32 {
        %mul3A_118 = arith.constant 64 : i32
        %mul3A_119 = arith.muli %scan3A_116, %mul3A_118 : i32
        %add3A_120 = arith.constant 0 : i32
        %add3A_121 = arith.addi %mul3A_119, %add3A_120 : i32
        %add3A_122 = arith.constant 12800 : i32
        %add3A_123 = arith.addi %add3A_122, %add3A_121 : i32
        %get3A = arith.index_cast %add3A_123 : i32 to index
        %get3A_124 = tpu.vector_load %arg6[%get3A] {strides = array<i32>} : memref<25600xi32, #tpu.memory_space<vmem>>, vector<16xi32>,
        %shift_right_arithmetic3A = arith.constant 9 : i32
        %shift_right_arithmetic3A_125 = vector.broadcast %shift_right_arithmetic3A : i32 to vector<16xi32>
        %shift_right_arithmetic3A_126 = arith.shrsi %get3A_124, %shift_right_arithmetic3A_125 : vector<16xi32>
        %and3A_127 = arith.constant 511 : i32
        %and3A_128 = vector.broadcast %and3A_127 : i32 to vector<16xi32>
        %and3A_129 = arith.andi %get3A_124, %and3A_128 : vector<16xi32>
        %gather3A = tpu.vector_load_idx %arg5[%shift_right_arithmetic3A_126, %and3A_129] : memref<225x384xf32, #tpu.memory_space<vmem>>[vector<16xi32>, vector<16xi32>], vector<16xf32>,
        %swap3A_130 = arith.index_cast %add3A_121 : i32 to index
        %swap3A_131 = tpu.vector_load %arg7[%swap3A_130] {strides = array<i32>} : memref<6400xf32, #tpu.memory_space<vmem>>, vector<16xf32>,
        tpu.vector_store %arg7[%swap3A_130], %gather3A {strides = array<i32>} : memref<6400xf32, #tpu.memory_space<vmem>>, vector<16xf32>,
        %mul3A_132 = arith.constant 64 : i32
        %mul3A_133 = arith.muli %scan3A_116, %mul3A_132 : i32
        %add3A_134 = arith.constant 16 : i32
        %add3A_135 = arith.addi %mul3A_133, %add3A_134 : i32
        %add3A_136 = arith.constant 12800 : i32
        %add3A_137 = arith.addi %add3A_136, %add3A_135 : i32
        %get3A_138 = arith.index_cast %add3A_137 : i32 to index
        %get3A_139 = tpu.vector_load %arg6[%get3A_138] {strides = array<i32>} : memref<25600xi32, #tpu.memory_space<vmem>>, vector<16xi32>,
        %shift_right_arithmetic3A_140 = arith.constant 9 : i32
        %shift_right_arithmetic3A_141 = vector.broadcast %shift_right_arithmetic3A_140 : i32 to vector<16xi32>
        %shift_right_arithmetic3A_142 = arith.shrsi %get3A_139, %shift_right_arithmetic3A_141 : vector<16xi32>
        %and3A_143 = arith.constant 511 : i32
        %and3A_144 = vector.broadcast %and3A_143 : i32 to vector<16xi32>
        %and3A_145 = arith.andi %get3A_139, %and3A_144 : vector<16xi32>
        %gather3A_146 = tpu.vector_load_idx %arg5[%shift_right_arithmetic3A_142, %and3A_145] : memref<225x384xf32, #tpu.memory_space<vmem>>[vector<16xi32>, vector<16xi32>], vector<16xf32>,
        %swap3A_147 = arith.index_cast %add3A_135 : i32 to index
        %swap3A_148 = tpu.vector_load %arg7[%swap3A_147] {strides = array<i32>} : memref<6400xf32, #tpu.memory_space<vmem>>, vector<16xf32>,
        tpu.vector_store %arg7[%swap3A_147], %gather3A_146 {strides = array<i32>} : memref<6400xf32, #tpu.memory_space<vmem>>, vector<16xf32>,
        %mul3A_149 = arith.constant 64 : i32
        %mul3A_150 = arith.muli %scan3A_116, %mul3A_149 : i32
        %add3A_151 = arith.constant 32 : i32
        %add3A_152 = arith.addi %mul3A_150, %add3A_151 : i32
        %add3A_153 = arith.constant 12800 : i32
        %add3A_154 = arith.addi %add3A_153, %add3A_152 : i32
        %get3A_155 = arith.index_cast %add3A_154 : i32 to index
        %get3A_156 = tpu.vector_load %arg6[%get3A_155] {strides = array<i32>} : memref<25600xi32, #tpu.memory_space<vmem>>, vector<16xi32>,
        %shift_right_arithmetic3A_157 = arith.constant 9 : i32
        %shift_right_arithmetic3A_158 = vector.broadcast %shift_right_arithmetic3A_157 : i32 to vector<16xi32>
        %shift_right_arithmetic3A_159 = arith.shrsi %get3A_156, %shift_right_arithmetic3A_158 : vector<16xi32>
        %and3A_160 = arith.constant 511 : i32
        %and3A_161 = vector.broadcast %and3A_160 : i32 to vector<16xi32>
        %and3A_162 = arith.andi %get3A_156, %and3A_161 : vector<16xi32>
        %gather3A_163 = tpu.vector_load_idx %arg5[%shift_right_arithmetic3A_159, %and3A_162] : memref<225x384xf32, #tpu.memory_space<vmem>>[vector<16xi32>, vector<16xi32>], vector<16xf32>,
        %swap3A_164 = arith.index_cast %add3A_152 : i32 to index
        %swap3A_165 = tpu.vector_load %arg7[%swap3A_164] {strides = array<i32>} : memref<6400xf32, #tpu.memory_space<vmem>>, vector<16xf32>,
        tpu.vector_store %arg7[%swap3A_164], %gather3A_163 {strides = array<i32>} : memref<6400xf32, #tpu.memory_space<vmem>>, vector<16xf32>,
        %mul3A_166 = arith.constant 64 : i32
        %mul3A_167 = arith.muli %scan3A_116, %mul3A_166 : i32
        %add3A_168 = arith.constant 48 : i32
        %add3A_169 = arith.addi %mul3A_167, %add3A_168 : i32
        %add3A_170 = arith.constant 12800 : i32
        %add3A_171 = arith.addi %add3A_170, %add3A_169 : i32
        %get3A_172 = arith.index_cast %add3A_171 : i32 to index
        %get3A_173 = tpu.vector_load %arg6[%get3A_172] {strides = array<i32>} : memref<25600xi32, #tpu.memory_space<vmem>>, vector<16xi32>,
        %shift_right_arithmetic3A_174 = arith.constant 9 : i32
        %shift_right_arithmetic3A_175 = vector.broadcast %shift_right_arithmetic3A_174 : i32 to vector<16xi32>
        %shift_right_arithmetic3A_176 = arith.shrsi %get3A_173, %shift_right_arithmetic3A_175 : vector<16xi32>
        %and3A_177 = arith.constant 511 : i32
        %and3A_178 = vector.broadcast %and3A_177 : i32 to vector<16xi32>
        %and3A_179 = arith.andi %get3A_173, %and3A_178 : vector<16xi32>
        %gather3A_180 = tpu.vector_load_idx %arg5[%shift_right_arithmetic3A_176, %and3A_179] : memref<225x384xf32, #tpu.memory_space<vmem>>[vector<16xi32>, vector<16xi32>], vector<16xf32>,
        %swap3A_181 = arith.index_cast %add3A_169 : i32 to index
        %swap3A_182 = tpu.vector_load %arg7[%swap3A_181] {strides = array<i32>} : memref<6400xf32, #tpu.memory_space<vmem>>, vector<16xf32>,
        tpu.vector_store %arg7[%swap3A_181], %gather3A_180 {strides = array<i32>} : memref<6400xf32, #tpu.memory_space<vmem>>, vector<16xf32>,
        %scan3A_183 = arith.constant 0 : i32
        scf.yield %scan3A_183 : i32
      }
      %scan3A_93 = arith.constant 100 : i32
      %mul3A_94 = arith.constant 25600 : i32
      %mul3A_95 = arith.muli %add3A_57, %mul3A_94 : i32
      %add3A_96 = arith.constant 12800 : i32
      %add3A_97 = arith.addi %mul3A_95, %add3A_96 : i32
      %dma_start3A_98 = tpu.memref_slice %arg4[%add3A_97] : memref<26214400xf32, #tpu.memory_space<hbm>> -> memref<6400xf32, #tpu.memory_space<hbm>>
      %dma_start3A_99 = tpu.memref_slice %arg4[%add3A_97] : memref<26214400xf32, #tpu.memory_space<hbm>> -> memref<6400xf32, #tpu.memory_space<hbm>>
      tpu.enqueue_dma source(%arg7 : memref<6400xf32, #tpu.memory_space<vmem>>) target(%dma_start3A_99 : memref<6400xf32, #tpu.memory_space<hbm>>) target_semaphore(%arg9 : memref<!tpu.dma_semaphore, #tpu.memory_space<semaphore_mem>>)
      %dma_wait3A_100 = tpu.memref_slice %arg4[%add3A_82] : memref<26214400xf32, #tpu.memory_space<hbm>> -> memref<6400xf32, #tpu.memory_space<hbm>>
      %dma_wait3A_101 = tpu.memref_slice %arg4[%add3A_82] : memref<26214400xf32, #tpu.memory_space<hbm>> -> memref<6400xf32, #tpu.memory_space<hbm>>
      tpu.wait_dma2 semaphore(%arg10 : memref<!tpu.dma_semaphore, #tpu.memory_space<semaphore_mem>>) src(%arg8 : memref<6400xf32, #tpu.memory_space<vmem>>) dst(%dma_wait3A_101 : memref<6400xf32, #tpu.memory_space<hbm>>)
      %scan3A_102 = arith.constant 0 : i32
      %scan3A_103 = arith.constant 0 : i32
      %scan3A_104 = arith.constant 100 : i32
      %scan3A_105 = arith.addi %scan3A_103, %scan3A_104 : i32
      %scan3A_106 = arith.constant 1 : i32
      %scan3A_107 = scf.for %scan3A_116 = %scan3A_103 to %scan3A_105 step %scan3A_106 iter_args(%scan3A_117 = %scan3A_102) -> (i32)  : i32 {
        %mul3A_118 = arith.constant 64 : i32
        %mul3A_119 = arith.muli %scan3A_116, %mul3A_118 : i32
        %add3A_120 = arith.constant 0 : i32
        %add3A_121 = arith.addi %mul3A_119, %add3A_120 : i32
        %add3A_122 = arith.constant 19200 : i32
        %add3A_123 = arith.addi %add3A_122, %add3A_121 : i32
        %get3A = arith.index_cast %add3A_123 : i32 to index
        %get3A_124 = tpu.vector_load %arg6[%get3A] {strides = array<i32>} : memref<25600xi32, #tpu.memory_space<vmem>>, vector<16xi32>,
        %shift_right_arithmetic3A = arith.constant 9 : i32
        %shift_right_arithmetic3A_125 = vector.broadcast %shift_right_arithmetic3A : i32 to vector<16xi32>
        %shift_right_arithmetic3A_126 = arith.shrsi %get3A_124, %shift_right_arithmetic3A_125 : vector<16xi32>
        %and3A_127 = arith.constant 511 : i32
        %and3A_128 = vector.broadcast %and3A_127 : i32 to vector<16xi32>
        %and3A_129 = arith.andi %get3A_124, %and3A_128 : vector<16xi32>
        %gather3A = tpu.vector_load_idx %arg5[%shift_right_arithmetic3A_126, %and3A_129] : memref<225x384xf32, #tpu.memory_space<vmem>>[vector<16xi32>, vector<16xi32>], vector<16xf32>,
        %swap3A_130 = arith.index_cast %add3A_121 : i32 to index
        %swap3A_131 = tpu.vector_load %arg8[%swap3A_130] {strides = array<i32>} : memref<6400xf32, #tpu.memory_space<vmem>>, vector<16xf32>,
        tpu.vector_store %arg8[%swap3A_130], %gather3A {strides = array<i32>} : memref<6400xf32, #tpu.memory_space<vmem>>, vector<16xf32>,
        %mul3A_132 = arith.constant 64 : i32
        %mul3A_133 = arith.muli %scan3A_116, %mul3A_132 : i32
        %add3A_134 = arith.constant 16 : i32
        %add3A_135 = arith.addi %mul3A_133, %add3A_134 : i32
        %add3A_136 = arith.constant 19200 : i32
        %add3A_137 = arith.addi %add3A_136, %add3A_135 : i32
        %get3A_138 = arith.index_cast %add3A_137 : i32 to index
        %get3A_139 = tpu.vector_load %arg6[%get3A_138] {strides = array<i32>} : memref<25600xi32, #tpu.memory_space<vmem>>, vector<16xi32>,
        %shift_right_arithmetic3A_140 = arith.constant 9 : i32
        %shift_right_arithmetic3A_141 = vector.broadcast %shift_right_arithmetic3A_140 : i32 to vector<16xi32>
        %shift_right_arithmetic3A_142 = arith.shrsi %get3A_139, %shift_right_arithmetic3A_141 : vector<16xi32>
        %and3A_143 = arith.constant 511 : i32
        %and3A_144 = vector.broadcast %and3A_143 : i32 to vector<16xi32>
        %and3A_145 = arith.andi %get3A_139, %and3A_144 : vector<16xi32>
        %gather3A_146 = tpu.vector_load_idx %arg5[%shift_right_arithmetic3A_142, %and3A_145] : memref<225x384xf32, #tpu.memory_space<vmem>>[vector<16xi32>, vector<16xi32>], vector<16xf32>,
        %swap3A_147 = arith.index_cast %add3A_135 : i32 to index
        %swap3A_148 = tpu.vector_load %arg8[%swap3A_147] {strides = array<i32>} : memref<6400xf32, #tpu.memory_space<vmem>>, vector<16xf32>,
        tpu.vector_store %arg8[%swap3A_147], %gather3A_146 {strides = array<i32>} : memref<6400xf32, #tpu.memory_space<vmem>>, vector<16xf32>,
        %mul3A_149 = arith.constant 64 : i32
        %mul3A_150 = arith.muli %scan3A_116, %mul3A_149 : i32
        %add3A_151 = arith.constant 32 : i32
        %add3A_152 = arith.addi %mul3A_150, %add3A_151 : i32
        %add3A_153 = arith.constant 19200 : i32
        %add3A_154 = arith.addi %add3A_153, %add3A_152 : i32
        %get3A_155 = arith.index_cast %add3A_154 : i32 to index
        %get3A_156 = tpu.vector_load %arg6[%get3A_155] {strides = array<i32>} : memref<25600xi32, #tpu.memory_space<vmem>>, vector<16xi32>,
        %shift_right_arithmetic3A_157 = arith.constant 9 : i32
        %shift_right_arithmetic3A_158 = vector.broadcast %shift_right_arithmetic3A_157 : i32 to vector<16xi32>
        %shift_right_arithmetic3A_159 = arith.shrsi %get3A_156, %shift_right_arithmetic3A_158 : vector<16xi32>
        %and3A_160 = arith.constant 511 : i32
        %and3A_161 = vector.broadcast %and3A_160 : i32 to vector<16xi32>
        %and3A_162 = arith.andi %get3A_156, %and3A_161 : vector<16xi32>
        %gather3A_163 = tpu.vector_load_idx %arg5[%shift_right_arithmetic3A_159, %and3A_162] : memref<225x384xf32, #tpu.memory_space<vmem>>[vector<16xi32>, vector<16xi32>], vector<16xf32>,
        %swap3A_164 = arith.index_cast %add3A_152 : i32 to index
        %swap3A_165 = tpu.vector_load %arg8[%swap3A_164] {strides = array<i32>} : memref<6400xf32, #tpu.memory_space<vmem>>, vector<16xf32>,
        tpu.vector_store %arg8[%swap3A_164], %gather3A_163 {strides = array<i32>} : memref<6400xf32, #tpu.memory_space<vmem>>, vector<16xf32>,
        %mul3A_166 = arith.constant 64 : i32
        %mul3A_167 = arith.muli %scan3A_116, %mul3A_166 : i32
        %add3A_168 = arith.constant 48 : i32
        %add3A_169 = arith.addi %mul3A_167, %add3A_168 : i32
        %add3A_170 = arith.constant 19200 : i32
        %add3A_171 = arith.addi %add3A_170, %add3A_169 : i32
        %get3A_172 = arith.index_cast %add3A_171 : i32 to index
        %get3A_173 = tpu.vector_load %arg6[%get3A_172] {strides = array<i32>} : memref<25600xi32, #tpu.memory_space<vmem>>, vector<16xi32>,
        %shift_right_arithmetic3A_174 = arith.constant 9 : i32
        %shift_right_arithmetic3A_175 = vector.broadcast %shift_right_arithmetic3A_174 : i32 to vector<16xi32>
        %shift_right_arithmetic3A_176 = arith.shrsi %get3A_173, %shift_right_arithmetic3A_175 : vector<16xi32>
        %and3A_177 = arith.constant 511 : i32
        %and3A_178 = vector.broadcast %and3A_177 : i32 to vector<16xi32>
        %and3A_179 = arith.andi %get3A_173, %and3A_178 : vector<16xi32>
        %gather3A_180 = tpu.vector_load_idx %arg5[%shift_right_arithmetic3A_176, %and3A_179] : memref<225x384xf32, #tpu.memory_space<vmem>>[vector<16xi32>, vector<16xi32>], vector<16xf32>,
        %swap3A_181 = arith.index_cast %add3A_169 : i32 to index
        %swap3A_182 = tpu.vector_load %arg8[%swap3A_181] {strides = array<i32>} : memref<6400xf32, #tpu.memory_space<vmem>>, vector<16xf32>,
        tpu.vector_store %arg8[%swap3A_181], %gather3A_180 {strides = array<i32>} : memref<6400xf32, #tpu.memory_space<vmem>>, vector<16xf32>,
        %scan3A_183 = arith.constant 0 : i32
        scf.yield %scan3A_183 : i32
      }
      %scan3A_108 = arith.constant 100 : i32
      %mul3A_109 = arith.constant 25600 : i32
      %mul3A_110 = arith.muli %add3A_57, %mul3A_109 : i32
      %add3A_111 = arith.constant 19200 : i32
      %add3A_112 = arith.addi %mul3A_110, %add3A_111 : i32
      %dma_start3A_113 = tpu.memref_slice %arg4[%add3A_112] : memref<26214400xf32, #tpu.memory_space<hbm>> -> memref<6400xf32, #tpu.memory_space<hbm>>
      %dma_start3A_114 = tpu.memref_slice %arg4[%add3A_112] : memref<26214400xf32, #tpu.memory_space<hbm>> -> memref<6400xf32, #tpu.memory_space<hbm>>
      tpu.enqueue_dma source(%arg8 : memref<6400xf32, #tpu.memory_space<vmem>>) target(%dma_start3A_114 : memref<6400xf32, #tpu.memory_space<hbm>>) target_semaphore(%arg10 : memref<!tpu.dma_semaphore, #tpu.memory_space<semaphore_mem>>)
      %scan3A_115 = arith.constant 0 : i32
      scf.yield %scan3A_115 : i32
    }
    %scan3A_44 = arith.constant 32 : i32
    %dma_wait3A = arith.constant 0 : i32
    %dma_wait3A_45 = tpu.memref_slice %arg4[%dma_wait3A] : memref<26214400xf32, #tpu.memory_space<hbm>> -> memref<6400xf32, #tpu.memory_space<hbm>>
    %dma_wait3A_46 = arith.constant 0 : i32
    %dma_wait3A_47 = tpu.memref_slice %arg4[%dma_wait3A_46] : memref<26214400xf32, #tpu.memory_space<hbm>> -> memref<6400xf32, #tpu.memory_space<hbm>>
    tpu.wait_dma2 semaphore(%arg9 : memref<!tpu.dma_semaphore, #tpu.memory_space<semaphore_mem>>) src(%dma_wait3A_47 : memref<6400xf32, #tpu.memory_space<hbm>>) dst(%arg7 : memref<6400xf32, #tpu.memory_space<vmem>>)
    %dma_wait3A_48 = arith.constant 0 : i32
    %dma_wait3A_49 = tpu.memref_slice %arg4[%dma_wait3A_48] : memref<26214400xf32, #tpu.memory_space<hbm>> -> memref<6400xf32, #tpu.memory_space<hbm>>
    %dma_wait3A_50 = arith.constant 0 : i32
    %dma_wait3A_51 = tpu.memref_slice %arg4[%dma_wait3A_50] : memref<26214400xf32, #tpu.memory_space<hbm>> -> memref<6400xf32, #tpu.memory_space<hbm>>
    tpu.wait_dma2 semaphore(%arg10 : memref<!tpu.dma_semaphore, #tpu.memory_space<semaphore_mem>>) src(%dma_wait3A_51 : memref<6400xf32, #tpu.memory_space<hbm>>) dst(%arg8 : memref<6400xf32, #tpu.memory_space<vmem>>)
    return
  }
}

</mosaic_0001>

<sc_bundles>
// kernel: backproject_gather_sc.3.cloned.1.call-start
scs
__scs_entry_jumppad:
0x0: {  	(pc) =	sbr.rel $0x88, $3  }
0x1: {  	(tag) =	ssettag $0x0;
	lr =	simm.s32 $0x1  }
0x2: {  	[smem:$0x3F9C] =	sst lr;
	_ =	strace $0xD0000000  }
0x3: {  	_ = 	snop  }
0x4: {  	_ = 	snop  }
0x5: {  	_ = 	snop  }
0x6: {  	_ = 	snop  }
0x7: {  	_ = 	snop  }
__scs_overlays_trampoline_lowered:
0x8: {  	[smem:$0x3FAB] =	sst s0  }
0x9: {  	[smem:$0x3FAC] =	sst s1  }
0xa: {  	[smem:$0x3FAD] =	sst s2  }
0xb: {  	[smem:$0x3FAE] =	sst s3  }
0xc: {  	[smem:$0x3FAF] =	sst s4  }
0xd: {  	[smem:$0x3FB0] =	sst s5  }
0xe: {  	[smem:$0x3FB1] =	sst s6  }
0xf: {  	[smem:$0x3FB2] =	sst s7  }
0x10: {  	[smem:$0x3FB3] =	sst s8  }
0x11: {  	[smem:$0x3FB4] =	sst s9;
	s0 =	simm.s32 @!p0 $0x0  }
0x12: {  	s1 =	sld [smem:$0x3F9A];
	s0 =	simm.s32 @p0 $0x1  }
0x13: {  	[smem:$0x3FB5] =	sst s0;
	s0 =	simm.s32 @!p1 $0x0  }
0x14: {  	s2 =	sld [smem:$0x3F99];
	s0 =	simm.s32 @p1 $0x1  }
0x15: {  	[smem:$0x3FB6] =	sst s0;
	s0 =	simm.s32 @!p2 $0x0  }
0x16: {  	s3 =	sld [smem:$0x3FDB];
	s0 =	simm.s32 @p2 $0x1  }
0x17: {  	s4 =	simm.s32 $0x1BF5;
	[smem:$0x3FB8] =	sst s0  }
0x18: {  	s0 =	sld [smem:$0x3F9B];
	_ =	swait.ge [sflag:s4], $0x0  }
0x19: {  	s7 =	sld [smem:$0x3F9C]  }
0x1a: {  	s8 =	sadd.s32 $0xFFFFE003, lr  }
0x1b: {  	s9 =	sadd.s32 $0xFFFFFEF7, lr;
	s5 =	simm.s32 $0xFFFFFFFF;
	p2 =	slt.u32 s8, $0xFFFFF086  }
0x1c: {  	p1 =	slt.u32 s9, $0xF7A;
	s5 =	simm.s32 @!p2 $0x0  }
0x1d: {  	s5 =	simm.s32 @p1 $0x1;
	p0 =	seq.s32 s7, s2  }
0x1e: {  	s7 =	smul.u32 @!p0 $0xF7A, s2;
	p2 =	seq.s32 @!p0 s5, $0x0  }
0x1f: {  	s9 =	smul.u32 $0xF7A, s1;
	s8 =	simm.s32 @!p0 $0x1BF5;
	p2 =	por !p2, p0  }
0x20: {  	[sflag:s8] =	ssyncset.s32 @!p0 $0xFFFFF086;
	s6 =	sadd.s32 @!p0 s3, s7;
	s7 =	simm.s32 @!p0 $0x108  }
0x21: {  	s3 =	sadd.s32 s3, s9;
	s6 =	sadd.s32 @!p0 $0x88, s6;
	s7 =	simm.s32 @p2 $0x1082  }
0x22: {  	[simem:s7], [sflag:s8] =	dma.local @!p0 [hbm:s6], $0xF7A  }
0x23: {  	s9 =	sor.u32 $0xD0000000, s2;
	s6 =	simm.s32 $0x108;
	_ =	swait.ge @!p0 [sflag:s8], $0x0  }
0x24: {  	s3 =	sadd.s32 $0x88, s3;
	s6 =	simm.s32 @!p1 $0x1082;
	[sflag:s4] =	ssyncset.s32 $0xFFFFF086  }
0x25: {  	[simem:s6], [sflag:s4] =	dma.local [hbm:s3], $0xF7A  }
0x26: {  	[smem:$0x3F9C] =	sst s1;
	(tag) =	ssettag s2;
	_ =	strace s9  }
0x27: {  	s1 =	sld [smem:$0x3FAC]  }
0x28: {  	s2 =	sld [smem:$0x3FAD]  }
0x29: {  	s4 =	sld [smem:$0x3FAF]  }
0x2a: {  	p0 =	seq.s32 s5, $0x0;
	s5 =	sld [smem:$0x3FB0]  }
0x2b: {  	s6 =	sld [smem:$0x3FB1]  }
0x2c: {  	s7 =	sld [smem:$0x3FB2]  }
0x2d: {  	s3 =	simm.s32 $0x108;
	s8 =	sld [smem:$0x3FB3]  }
0x2e: {  	s3 =	simm.s32 @!p0 $0x1082;
	s9 =	sld [smem:$0x3FB4]  }
0x2f: {  	lr =	sadd.s32 s0, s3;
	s0 =	sld [smem:$0x3FAB]  }
0x30: {  	s3 =	sld [smem:$0x3FAE]  }
0x31: {  	[smem:$0x3FB7] =	sst s10  }
0x32: {  	s10 =	sld [smem:$0x3FB5];
	_ =	sdelay $0x3  }
0x33: {  	p0 =	seq.s32 s10, $0x1;
	s10 =	sld [smem:$0x3FB7];
	_ =	sdelay $0x3  }
0x34: {  	[smem:$0x3FB7] =	sst s10  }
0x35: {  	s10 =	sld [smem:$0x3FB6];
	_ =	sdelay $0x3  }
0x36: {  	p1 =	seq.s32 s10, $0x1;
	s10 =	sld [smem:$0x3FB7];
	_ =	sdelay $0x3  }
0x37: {  	[smem:$0x3FB7] =	sst s10  }
0x38: {  	s10 =	sld [smem:$0x3FB8]  }
0x39: {  	_ = 	snop;
	(pc) =	sbr.ind lr, $3  }
0x3a: {  	_ = 	snop  }
0x3b: {  	_ = 	snop  }
0x3c: {  	p2 =	seq.s32 s10, $0x1;
	s10 =	sld [smem:$0x3FB7]  }
0x3d: {  	_ =	shalt  }
0x3e: {  	_ =	shalt  }
0x3f: {  	_ =	shalt  }
0x40: {  	_ =	shalt  }
0x41: {  	_ =	shalt  }
0x42: {  	_ =	shalt  }
0x43: {  	_ =	shalt  }
0x44: {  	_ =	shalt  }
0x45: {  	_ =	shalt  }
0x46: {  	_ =	shalt  }
0x47: {  	_ =	shalt  }
0x48: {  	_ =	shalt  }
0x49: {  	_ =	shalt  }
0x4a: {  	_ =	shalt  }
0x4b: {  	_ =	shalt  }
0x4c: {  	_ =	shalt  }
0x4d: {  	_ =	shalt  }
0x4e: {  	_ =	shalt  }
0x4f: {  	_ =	shalt  }
0x50: {  	_ =	shalt  }
0x51: {  	_ =	shalt  }
0x52: {  	_ =	shalt  }
0x53: {  	_ =	shalt  }
0x54: {  	_ =	shalt  }
0x55: {  	_ =	shalt  }
0x56: {  	_ =	shalt  }
0x57: {  	_ =	shalt  }
0x58: {  	_ =	shalt  }
0x59: {  	_ =	shalt  }
0x5a: {  	_ =	shalt  }
0x5b: {  	_ =	shalt  }
0x5c: {  	_ =	shalt  }
0x5d: {  	_ =	shalt  }
0x5e: {  	_ =	shalt  }
0x5f: {  	_ =	shalt  }
0x60: {  	_ =	shalt  }
0x61: {  	_ =	shalt  }
0x62: {  	_ =	shalt  }
0x63: {  	_ =	shalt  }
0x64: {  	_ =	shalt  }
0x65: {  	_ =	shalt  }
0x66: {  	_ =	shalt  }
0x67: {  	_ =	shalt  }
0x68: {  	_ =	shalt  }
0x69: {  	_ =	shalt  }
0x6a: {  	_ =	shalt  }
0x6b: {  	_ =	shalt  }
0x6c: {  	_ =	shalt  }
0x6d: {  	_ =	shalt  }
0x6e: {  	_ =	shalt  }
0x6f: {  	_ =	shalt  }
0x70: {  	_ =	shalt  }
0x71: {  	_ =	shalt  }
0x72: {  	_ =	shalt  }
0x73: {  	_ =	shalt  }
0x74: {  	_ =	shalt  }
0x75: {  	_ =	shalt  }
0x76: {  	_ =	shalt  }
0x77: {  	_ =	shalt  }
0x78: {  	_ =	shalt  }
0x79: {  	_ =	shalt  }
0x7a: {  	_ =	shalt  }
0x7b: {  	_ =	shalt  }
0x7c: {  	_ =	shalt  }
0x7d: {  	_ =	shalt  }
0x7e: {  	_ =	shalt  }
0x7f: {  	_ =	shalt  }
0x80: {  	_ =	shalt  }
0x81: {  	_ =	shalt  }
0x82: {  	_ =	shalt  }
0x83: {  	_ =	shalt  }
0x84: {  	_ =	shalt  }
0x85: {  	_ =	shalt  }
0x86: {  	_ =	shalt  }
0x87: {  	_ =	shalt  }
.Lfunc_end0:
.L_simem_size_0:
called_computation.2_lowered:
.L_overlay_start_0:
0x88: {  	s2 =	sld [smem:$0x3FD9]  }
0x89: {  	s3 =	sld [smem:$0x3FFE];
	_ =	sdelay $0x1  }
0x8a: {  	s1 =	srdreg.scid  }
0x8b: {  	s0 =	sand.u32 $0x1, s1  }
0x8c: {  	s14 =	sshll.u32 s0, $0xA;
	s2 =	sadd.s32 s3, s2  }
0x8d: {  	s2 =	sadd.s32 s2, s14  }
0x8e: {  	[smem:$0x3FC3] =	sst s2  }
0x8f: {  	_ = 	snop  }
0x90: {  	s2 =	sld [smem:$0x3FD0];
	_ =	sdelay $0x2  }
0x91: {  	s4 =	simm.s32 $0xA;
	s5 =	simm.s32 $0x10;
	s15 =	sld [smem:$0x3FC9]  }
0x92: {  	[smem:s5], [sflag:s4] =	dma.local [hbm:s2], $0x1  }
0x93: {  	_ =	swait.eq [sflag:s4], $0x1  }
0x94: {  	[sflag:s4] =	ssyncset.done $0x0  }
0x95: {  	[sflag:s4] =	ssyncadd.s32 $0xFFFFFFFF  }
0x96: {  	s16 =	sld [smem:$0x10];
	(tm) =	ssettm $0x1  }
0x97: {  	s17 =	sld [smem:$0x3FFB];
	_ =	sdelay $0x3  }
0x98: {  	_ =	strace s17  }
0x99: {  	s4 =	sld [smem:$0x3FFC];
	_ =	sdelay $0x3  }
0x9a: {  	_ =	strace s4  }
0x9b: {  	s4 =	sld [smem:$0x3FFD];
	_ =	sdelay $0x3  }
0x9c: {  	_ =	strace s4  }
0x9d: {  	_ =	strace $0x8FFFFFFF  }
0x9e: {  	s18 =	sld [smem:$0x3FDB];
	_ =	sdelay $0x1  }
0x9f: {  	s19 =	simm.s32 $_scs_section_size  }
0xa0: {  	s6 =	simm.s32 $_size__tile_overlayer_lowered;
	s7 =	simm.s32 $_tile_overlayer_lowered  }
0xa1: {  	s22 =	simm.s32 $0x1BFF;
	s21 =	sshll.u32 s7, $0x1;
	s4 =	sadd.s32 s19, s18  }
0xa2: {  	s8 =	simm.s32 $0x0;
	s20 =	sshll.u32 s6, $0x1;
	s6 =	sadd.s32 s21, s4  }
0xa3: {  	[timem:s8], [sflag:s22] =	dma.local [hbm:s6], s20  }
0xa4: {  	_ =	swait.ge [sflag:s22], s20  }
0xa5: {  	s5 =	ssub.s32 $0x0, s20;
	[sflag:s22] =	ssyncset.done $0x0  }
0xa6: {  	[sflag:s22] =	ssyncadd.s32 s5;
	_ =	sdelay $0x1  }
0xa7: {  	s23 =	simm.s32 $0x1B8B  }
0xa8: {  	_ =	swait.ge [sflag:s23], $0x1  }
0xa9: {  	[sflag:s23] =	ssyncset.done $0x0  }
0xaa: {  	s25 =	simm.s32 $0x1B8E;
	s24 =	sld [smem:$0x3FFE];
	[sflag:s23] =	ssyncadd.s32 $0xFFFFFFFF  }
0xab: {  	s26 =	simm.s32 $execute0_lowered;
	[smem:$0x3FD2] =	sst s25  }
0xac: {  	s6 =	sshll.u32 s26, $0x1;
	_ =	strace $0x80000049;
	[dreg:$0x1] =	wrdreg $0xFFFFFFFF  }
0xad: {  	s28 =	simm.s32 $_size_execute0_lowered;
	s4 =	sadd.s32 s4, s6;
	[dreg:$0x0] =	wrdreg $0x0  }
0xae: {  	s6 =	sshll.u32 s28, $0x1;
	[dreg:$0x2] =	wrdreg s4  }
0xaf: {  	[dreg:$0x3] =	wrdreg s6  }
0xb0: {  	[dreg:$0x4] =	wrdreg $0xC0  }
0xb1: {  	_ =	task [dreg:s8], $0x5FFFF  }
0xb2: {  	[dreg:$0x1] =	wrdreg $0xFFFFFFFF  }
0xb3: {  	[dreg:$0x0] =	wrdreg $0x60  }
0xb4: {  	[dreg:$0x2] =	wrdreg s15  }
0xb5: {  	[dreg:$0x3] =	wrdreg s24  }
0xb6: {  	[dreg:$0x4] =	wrdreg s16  }
0xb7: {  	[dreg:$0x5] =	wrdreg $0x9  }
0xb8: {  	_ =	task.clear_ibuf [dreg:s8], $0x6FFFF;
	_ =	strace $0x90000049  }
0xb9: {  	s29 =	simm.s32 $0x9;
	_ =	strace $0x8000004B  }
0xba: {  	_ =	swait.ge [sflag:s29], $0x1  }
0xbb: {  	[sflag:s29] =	ssyncadd.s32 $0xFFFFFFFF  }
0xbc: {  	_ =	strace $0x9000004B  }
0xbd: {  	_ =	sfence  }
0xbe: {  	s30 =	sld [smem:$0x0];
	_ =	sdelay $0x2  }
0xbf: {  	s31 =	sshll.u32 s1, $0xD;
	s1 =	sshrl.u32 s1, $0x2  }
0xc0: {  	s3 =	sand.u32 $0x4000, s31;
	s1 =	sadd.s32 s1, s30  }
0xc1: {  	s0 =	sor.u32 s3, s0;
	s1 =	sshll.u32 s1, $0x11  }
0xc2: {  	s0 =	sor.u32 s1, s0  }
0xc3: {  	s0 =	sadd.s32 $0x8F2B, s0  }
0xc4: {  	[sflag:s0] =	ssyncadd.remote.s32 $0x1  }
0xc5: {  	_ =	sfence.sel $0xFFFF  }
0xc6: {  	[dreg:$0x0] =	wrdreg $0xFFFFFFFF;
	(pc) =	sbr.abs _section_cstart, $3  }
0xc7: {  	[dreg:$0x1] =	wrdreg $0xFFFFFFFF  }
0xc8: {  	_ =	task.clear_ibuf [dreg:s8], $0x2FFFF;
	_ =	strace $0x9FFFFFFF  }
0xc9: {  	(tm) =	ssettm $0x7FFFFFFF  }
tec
execute0_lowered:
.L_overlay_start_1:
0x0: {  	(tag) =	ssettag $0x1  }
0x1: {  	s1 =	rddreg [dreg:$0x0]  }
0x2: {  	s5 =	rddreg [dreg:$0x1]  }
0x3: {  	s3 =	rddreg [dreg:$0x2]  }
0x4: {  	s0 =	rddreg [dreg:$0x3]  }
0x5: {  	s4 =	simm.s32 $0x0;
	s2 =	stileid.u32;
	s6 =	srdreg.scid  }
0x6: {  	s12 =	simm.s32 $0x1C000;
	s13 =	simm.s32 $0x1D900;
	s14 =	simm.s32 $0x1  }
0x7: {  	s15 =	simm.s32 $0x2;
	s16 =	simm.s32 $0x0;
	[smem:$0x7FF] =	sst s4  }
0x8: {  	s8 =	sshrl.u32 s2, $0x1;
	s6 =	sand.u32 $0x1, s6;
	s10 =	sshll.u32 s2, $0x1  }
0x9: {  	s7 =	smul.u32 $0xC80, s8;
	s9 =	ssub.s32 $0x2, s6;
	s10 =	sand.u32 $0x2, s10  }
0xa: {  	_ =	strace $0x8000004A;
	s11 =	sshrl.u32 s9, $0x1;
	s31 =	sor.u32 s6, s10  }
0xb: {  	s10 =	simm.s32 $0x15C00;
	s7 =	sadd.s32 s7, s5;
	s9 =	ssub.s32 s9, s11  }
0xc: {  	s5 =	sshll.u32 s31, $0x5;
	s11 =	simm.s32 $0x3;
	s6 =	sadd.s32 $0x27600, s7  }
0xd: {  	v0 =	vimm.f32 $0.0e+00;
	s7 =	sshll.u32 s8, $0x7;
	s8 =	smul.u32 $0xA80000, s8;
	s9 =	smax.u32 s9, $0x1  }
.LBB2_1:
0xe: {  	[tilespmem:s10], [sflag:$0x3] =	stream.linear.gather [hbm4b:s6+s4], $0x6400, $0x38;
	[tilespmem:$0x1F200] =	vst v63  }
0xf: {  	_ =	swait.ge [sflag:s11], $0x6400  }
0x10: {  	[sflag:s11] =	ssyncset.done $0x0  }
0x11: {  	[sflag:s11] =	ssyncadd.s32 $0xFFFF9C00  }
0x12: {  	s17 =	simm.s32 $0x0;
	[tilespmem:$0x15000] =	vst v0  }
.LBB2_2:
0x13: {  	s19 =	sadd.s32 s5, s17  }
0x14: {  	s18 =	smul.u32 $0x15000, s19;
	_ =	sdelay $0x1  }
0x15: {  	s18 =	sadd.s32 s8, s18  }
0x16: {  	s18 =	sshrl.u32 s18, $0x3  }
0x17: {  	s18 =	sadd.s32 s1, s18  }
0x18: {  	[tilespmem:s4], [sflag:$0x3] =	stream.linear.gather [hbm4b:s18+s4], $0x15000, $0x38;
	[tilespmem:$0x1F200] =	vst v63  }
0x19: {  	_ =	swait.ge [sflag:s11], $0x15000  }
0x1a: {  	p0 =	seq.s32 s17, $0x0;
	[sflag:s11] =	ssyncset.done $0x0  }
0x1b: {  	s18 =	simm.s32 @!p0 $0x1;
	[sflag:s11] =	ssyncadd.s32 $0xFFFEB000  }
0x1c: {  	_ =	swait.ge @!p0 [sflag:s18], $0x1900  }
0x1d: {  	[sflag:s18] =	ssyncset.done @!p0 $0x0  }
0x1e: {  	[sflag:s18] =	ssyncadd.s32 @!p0 $0xFFFFE700;
	s18 =	simm.s32 @!p0 $0x2  }
0x1f: {  	_ =	swait.ge @!p0 [sflag:s18], $0x1900  }
0x20: {  	[sflag:s18] =	ssyncset.done @!p0 $0x0  }
0x21: {  	[sflag:s18] =	ssyncadd.s32 @!p0 $0xFFFFE700;
	s18 =	simm.s32 $0x0  }
0x22: {  	v1 =	vld [tilespmem:s18+$0x15C00];
	_ =	sdelay $0x4  }
0x23: {  	v2 =	vshra.s32 v1, $0x9  }
0x24: {  	v3 =	vshrl.u32 v2, $0x3  }
0x25: {  	v5 =	vld [tilespmem:s18+$0x15C10];
	v4 =	vshll.u32 v1, $0x3;
	v3 =	vmul.u32 $0xC00, v3  }
0x26: {  	v4 =	vand.u32 $0xC00, v4;
	v2 =	vshll.u32 v2, $0x7  }
0x27: {  	v2 =	vand.u32 $0x380, v2;
	v3 =	vadd.s32 v4, v3  }
0x28: {  	v1 =	vand.u32 $0x7F, v1;
	v2 =	vor.u32 v2, v3  }
0x29: {  	v1 =	vor.u32 v1, v2  }
0x2a: {  	v2 =	vshra.s32 v5, $0x9  }
0x2b: {  	v3 =	vld [tilespmem:s18+$0x15C20];
	v4 =	vshrl.u32 v2, $0x3  }
0x2c: {  	v6 =	vshll.u32 v5, $0x3;
	v4 =	vmul.u32 $0xC00, v4  }
0x2d: {  	v6 =	vand.u32 $0xC00, v6;
	v2 =	vshll.u32 v2, $0x7  }
0x2e: {  	v2 =	vand.u32 $0x380, v2;
	v7 =	vld.idx.msk [tilespmem:v1+s4+$0x0], $0xffff;
	v1 =	vadd.s32 v6, v4  }
0x2f: {  	v4 =	vand.u32 $0x7F, v5;
	v2 =	vor.u32 v2, v1  }
0x30: {  	v5 =	vshra.s32 v3, $0x9;
	v2 =	vor.u32 v4, v2  }
0x31: {  	v4 =	vshrl.u32 v5, $0x3  }
0x32: {  	v6 =	vshll.u32 v3, $0x3;
	v1 =	vld [tilespmem:s18+$0x15C30];
	v4 =	vmul.u32 $0xC00, v4  }
0x33: {  	v6 =	vand.u32 $0xC00, v6;
	v5 =	vshll.u32 v5, $0x7  }
0x34: {  	v5 =	vand.u32 $0x380, v5;
	v4 =	vadd.s32 v6, v4;
	[tilespmem:s18+$0x1C000] =	vst v7  }
0x35: {  	v3 =	vand.u32 $0x7F, v3;
	v5 =	vor.u32 v5, v4;
	v2 =	vld.idx.msk [tilespmem:v2+s4+$0x0], $0xffff  }
0x36: {  	v3 =	vor.u32 v3, v5  }
0x37: {  	v4 =	vshra.s32 v1, $0x9  }
0x38: {  	s20 =	simm.s32 $0x40;
	s21 =	simm.s32 $0x200;
	s19 =	sadd.s32 s7, s19;
	v5 =	vshrl.u32 v4, $0x3  }
.LBB2_3:
0x39: {  	p0 =	sne.s32 s21, $0x6300;
	v6 =	vld [tilespmem:s20+$0x15C00];
	v5 =	vmul.u32 $0xC00, v5;
	v7 =	vshll.u32 v1, $0x3  }
0x3a: {  	v4 =	vshll.u32 v4, $0x7;
	[tilespmem:s18+$0x1C010] =	vst v2;
	v2 =	vand.u32 $0xC00, v7  }
0x3b: {  	v4 =	vand.u32 $0x380, v4;
	v3 =	vld.idx.msk [tilespmem:v3+s4+$0x0], $0xffff;
	v2 =	vadd.s32 v2, v5  }
0x3c: {  	v1 =	vand.u32 $0x7F, v1;
	v2 =	vor.u32 v4, v2  }
0x3d: {  	v1 =	vor.u32 v1, v2  }
0x3e: {  	v2 =	vshra.s32 v6, $0x9  }
0x3f: {  	v4 =	vshrl.u32 v2, $0x3  }
0x40: {  	v5 =	vshll.u32 v6, $0x3;
	v4 =	vmul.u32 $0xC00, v4;
	v7 =	vld [tilespmem:s20+$0x15C10]  }
0x41: {  	v5 =	vand.u32 $0xC00, v5;
	v2 =	vshll.u32 v2, $0x7;
	[tilespmem:s18+$0x1C020] =	vst v3  }
0x42: {  	v2 =	vand.u32 $0x380, v2;
	v3 =	vadd.s32 v5, v4;
	v1 =	vld.idx.msk [tilespmem:v1+s4+$0x0], $0xffff  }
0x43: {  	v4 =	vand.u32 $0x7F, v6;
	v2 =	vor.u32 v2, v3  }
0x44: {  	v2 =	vor.u32 v4, v2  }
0x45: {  	v3 =	vshra.s32 v7, $0x9  }
0x46: {  	v4 =	vshrl.u32 v3, $0x3  }
0x47: {  	v5 =	vshll.u32 v7, $0x3;
	v4 =	vmul.u32 $0xC00, v4;
	v6 =	vld [tilespmem:s20+$0x15C20]  }
0x48: {  	v5 =	vand.u32 $0xC00, v5;
	v3 =	vshll.u32 v3, $0x7;
	[tilespmem:s18+$0x1C030] =	vst v1;
	s18 =	smov.u32 s20  }
0x49: {  	v3 =	vand.u32 $0x380, v3;
	v2 =	vld.idx.msk [tilespmem:v2+s4+$0x0], $0xffff;
	v1 =	vadd.s32 v5, v4  }
0x4a: {  	v4 =	vand.u32 $0x7F, v7;
	v1 =	vor.u32 v3, v1  }
0x4b: {  	v3 =	vor.u32 v4, v1  }
0x4c: {  	v4 =	vshra.s32 v6, $0x9  }
0x4d: {  	v1 =	vshrl.u32 v4, $0x3  }
0x4e: {  	v7 =	vshll.u32 v6, $0x3;
	v5 =	vmul.u32 $0xC00, v1;
	v1 =	vld [tilespmem:s18+$0x15C30]  }
0x4f: {  	v7 =	vand.u32 $0xC00, v7;
	v4 =	vshll.u32 v4, $0x7;
	[tilespmem:s18+$0x1C000] =	vst v2  }
.Ltmp0:
0x50: {  	v4 =	vand.u32 $0x380, v4;
	v2 =	vld.idx.msk [tilespmem:v3+s4+$0x0], $0xffff;
	v3 =	vadd.s32 v7, v5;
	(pc) =	sbr.rel @p0 .LBB2_3-.Ltmp0, $4  }
0x51: {  	v5 =	vand.u32 $0x7F, v6;
	v3 =	vor.u32 v4, v3  }
0x52: {  	v3 =	vor.u32 v5, v3  }
0x53: {  	v4 =	vshra.s32 v1, $0x9  }
0x54: {  	s20 =	sshra.s32 s21, $0x2;
	s21 =	sadd.s32 $0x100, s21;
	v5 =	vshrl.u32 v4, $0x3  }
0x55: {  	v6 =	vld [tilespmem:s20+$0x15C00]  }
0x56: {  	v5 =	vmul.u32 $0xC00, v5;
	v7 =	vshll.u32 v1, $0x3  }
0x57: {  	v4 =	vshll.u32 v4, $0x7;
	v7 =	vand.u32 $0xC00, v7  }
0x58: {  	[tilespmem:s18+$0x1C010] =	vst v2;
	v4 =	vand.u32 $0x380, v4;
	v2 =	vadd.s32 v7, v5  }
0x59: {  	v1 =	vand.u32 $0x7F, v1;
	v3 =	vld.idx.msk [tilespmem:v3+s4+$0x0], $0xffff;
	v2 =	vor.u32 v4, v2  }
0x5a: {  	v1 =	vor.u32 v1, v2;
	v2 =	vshra.s32 v6, $0x9  }
0x5b: {  	v50 =	vld [tilespmem:s20+$0x15C10];
	v49 =	vshrl.u32 v2, $0x3  }
0x5c: {  	v51 =	vshll.u32 v6, $0x3;
	v4 =	vmul.u32 $0xC00, v49  }
0x5d: {  	v7 =	vand.u32 $0xC00, v51;
	v2 =	vshll.u32 v2, $0x7  }
0x5e: {  	[tilespmem:s18+$0x1C020] =	vst v3;
	v2 =	vand.u32 $0x380, v2;
	v3 =	vadd.s32 v7, v4  }
0x5f: {  	v52 =	vand.u32 $0x7F, v6;
	v1 =	vld.idx.msk [tilespmem:v1+s4+$0x0], $0xffff;
	v2 =	vor.u32 v2, v3  }
0x60: {  	v3 =	vshra.s32 v50, $0x9;
	v2 =	vor.u32 v52, v2  }
0x61: {  	v54 =	vld [tilespmem:s20+$0x15C20];
	v53 =	vshrl.u32 v3, $0x3  }
0x62: {  	v55 =	vshll.u32 v50, $0x3;
	v4 =	vmul.u32 $0xC00, v53  }
0x63: {  	v7 =	vand.u32 $0xC00, v55;
	v3 =	vshll.u32 v3, $0x7  }
0x64: {  	v3 =	vand.u32 $0x380, v3;
	[tilespmem:s18+$0x1C030] =	vst v1;
	v1 =	vadd.s32 v7, v4  }
0x65: {  	v56 =	vand.u32 $0x7F, v50;
	v1 =	vor.u32 v3, v1;
	v2 =	vld.idx.msk [tilespmem:v2+s4+$0x0], $0xffff  }
0x66: {  	v3 =	vshra.s32 v54, $0x9;
	v1 =	vor.u32 v56, v1  }
0x67: {  	v58 =	vld [tilespmem:s20+$0x15C30];
	v57 =	vshrl.u32 v3, $0x3  }
0x68: {  	v59 =	vshll.u32 v54, $0x3;
	v4 =	vmul.u32 $0xC00, v57  }
0x69: {  	v7 =	vand.u32 $0xC00, v59;
	v3 =	vshll.u32 v3, $0x7  }
0x6a: {  	v3 =	vand.u32 $0x380, v3;
	[tilespmem:s20+$0x1C000] =	vst v2;
	v2 =	vadd.s32 v7, v4  }
0x6b: {  	v60 =	vand.u32 $0x7F, v54;
	v1 =	vld.idx.msk [tilespmem:v1+s4+$0x0], $0xffff;
	v2 =	vor.u32 v3, v2  }
0x6c: {  	v3 =	vshra.s32 v58, $0x9;
	v2 =	vor.u32 v60, v2  }
0x6d: {  	v61 =	vshrl.u32 v3, $0x3  }
0x6e: {  	v62 =	vshll.u32 v58, $0x3;
	v4 =	vmul.u32 $0xC00, v61  }
0x6f: {  	v6 =	vand.u32 $0xC00, v62;
	v3 =	vshll.u32 v3, $0x7  }
0x70: {  	v3 =	vand.u32 $0x380, v3;
	[tilespmem:s20+$0x1C010] =	vst v1;
	v1 =	vadd.s32 v6, v4  }
0x71: {  	v63 =	vand.u32 $0x7F, v58;
	v2 =	vld.idx.msk [tilespmem:v2+s4+$0x0], $0xffff;
	v1 =	vor.u32 v3, v1  }
0x72: {  	v1 =	vor.u32 v63, v1;
	_ =	sdelay $0x3  }
0x73: {  	[tilespmem:s20+$0x1C020] =	vst v2  }
0x74: {  	v1 =	vld.idx.msk [tilespmem:v1+s4+$0x0], $0xffff;
	_ =	sdelay $0x1  }
0x75: {  	s31 =	smul.u32 $0x6400, s19;
	_ =	sdelay $0x1  }
0x76: {  	s19 =	simm.s32 $0x0;
	s18 =	sshrl.u32 s31, $0x3  }
0x77: {  	s21 =	simm.s32 $0x17530;
	s18 =	sadd.s32 s3, s18;
	[tilespmem:s20+$0x1C030] =	vst v1;
	s20 =	simm.s32 $0x1D920  }
0x78: {  	[hbm4b:s18+s19] =	stream.linear.scatter [tilespmem:s12], [sflag:$0x1], $0x1900, $0x38;
	[tilespmem:$0x1F200] =	vst v63  }
.LBB2_5:
0x79: {  	s22 =	sand.u32 $0x1FC0, s19  }
0x7a: {  	v1 =	vld [tilespmem:s22+$0x17500];
	_ =	sdelay $0x4  }
0x7b: {  	v2 =	vshra.s32 v1, $0x9  }
0x7c: {  	v3 =	vshrl.u32 v2, $0x3  }
0x7d: {  	v4 =	vshll.u32 v1, $0x3;
	v3 =	vmul.u32 $0xC00, v3  }
0x7e: {  	v4 =	vand.u32 $0xC00, v4;
	v2 =	vshll.u32 v2, $0x7  }
0x7f: {  	v2 =	vand.u32 $0x380, v2;
	v3 =	vadd.s32 v4, v3  }
0x80: {  	v1 =	vand.u32 $0x7F, v1;
	v2 =	vor.u32 v2, v3  }
0x81: {  	v1 =	vor.u32 v1, v2;
	_ =	sdelay $0x4  }
0x82: {  	v1 =	vld.idx.msk [tilespmem:v1+s4+$0x0], $0xffff;
	_ =	sdelay $0x4  }
0x83: {  	[tilespmem:s20+$0xFFFFFFE0] =	vst v1  }
0x84: {  	v1 =	vld [tilespmem:s21+$0xFFFFFFE0];
	_ =	sdelay $0x4  }
0x85: {  	v2 =	vshra.s32 v1, $0x9  }
0x86: {  	v3 =	vshrl.u32 v2, $0x3  }
0x87: {  	v61 =	vshll.u32 v1, $0x3;
	v3 =	vmul.u32 $0xC00, v3  }
0x88: {  	v4 =	vand.u32 $0xC00, v61;
	v2 =	vshll.u32 v2, $0x7  }
0x89: {  	v2 =	vand.u32 $0x380, v2;
	v3 =	vadd.s32 v4, v3  }
0x8a: {  	v1 =	vand.u32 $0x7F, v1;
	v2 =	vor.u32 v2, v3  }
0x8b: {  	v1 =	vor.u32 v1, v2;
	_ =	sdelay $0x4  }
0x8c: {  	v1 =	vld.idx.msk [tilespmem:v1+s4+$0x0], $0xffff;
	_ =	sdelay $0x4  }
0x8d: {  	[tilespmem:s20+$0xFFFFFFF0] =	vst v1  }
0x8e: {  	v1 =	vld [tilespmem:s21+$0xFFFFFFF0];
	_ =	sdelay $0x4  }
0x8f: {  	v2 =	vshra.s32 v1, $0x9  }
0x90: {  	v3 =	vshrl.u32 v2, $0x3  }
0x91: {  	v62 =	vshll.u32 v1, $0x3;
	v3 =	vmul.u32 $0xC00, v3  }
0x92: {  	v4 =	vand.u32 $0xC00, v62;
	v2 =	vshll.u32 v2, $0x7  }
0x93: {  	v2 =	vand.u32 $0x380, v2;
	v3 =	vadd.s32 v4, v3  }
0x94: {  	v1 =	vand.u32 $0x7F, v1;
	v2 =	vor.u32 v2, v3  }
0x95: {  	v1 =	vor.u32 v1, v2;
	_ =	sdelay $0x4  }
0x96: {  	v1 =	vld.idx.msk [tilespmem:v1+s4+$0x0], $0xffff;
	_ =	sdelay $0x4  }
0x97: {  	[tilespmem:s20+$0x0] =	vst v1  }
0x98: {  	v1 =	vld [tilespmem:s21+$0x0];
	_ =	sdelay $0x4  }
0x99: {  	v2 =	vshra.s32 v1, $0x9  }
0x9a: {  	v3 =	vshrl.u32 v2, $0x3  }
0x9b: {  	v63 =	vshll.u32 v1, $0x3;
	v3 =	vmul.u32 $0xC00, v3  }
0x9c: {  	v4 =	vand.u32 $0xC00, v63;
	v2 =	vshll.u32 v2, $0x7  }
0x9d: {  	v2 =	vand.u32 $0x380, v2;
	v3 =	vadd.s32 v4, v3  }
0x9e: {  	v1 =	vand.u32 $0x7F, v1;
	v2 =	vor.u32 v2, v3  }
0x9f: {  	v1 =	vor.u32 v1, v2;
	_ =	sdelay $0x4  }
0xa0: {  	p0 =	sne.s32 s19, $0x18C0;
	v1 =	vld.idx.msk [tilespmem:v1+s4+$0x0], $0xffff  }
.Ltmp1:
0xa1: {  	_ = 	snop;
	(pc) =	sbr.rel @p0 .LBB2_5-.Ltmp1, $2  }
0xa2: {  	_ =	sdelay $0x2  }
0xa3: {  	s19 =	sadd.s32 $0x40, s19;
	s21 =	sadd.s32 $0x40, s21;
	[tilespmem:s20+$0x10] =	vst v1;
	s20 =	sadd.s32 $0x40, s20  }
0xa4: {  	s20 =	sadd.s32 $0x320, s18;
	s19 =	simm.s32 $0x0  }
0xa5: {  	[hbm4b:s20+s19] =	stream.linear.scatter [tilespmem:s13], [sflag:$0x2], $0x1900, $0x38;
	[tilespmem:$0x1F200] =	vst v63  }
0xa6: {  	_ =	swait.ge [sflag:s14], $0x1900  }
0xa7: {  	[sflag:s14] =	ssyncset.done $0x0  }
0xa8: {  	s21 =	simm.s32 $0x18E30;
	s20 =	simm.s32 $0x1C020;
	[sflag:s14] =	ssyncadd.s32 $0xFFFFE700  }
.LBB2_7:
0xa9: {  	s22 =	sand.u32 $0x1FC0, s19  }
0xaa: {  	v1 =	vld [tilespmem:s22+$0x18E00];
	_ =	sdelay $0x4  }
0xab: {  	v2 =	vshra.s32 v1, $0x9  }
0xac: {  	v3 =	vshrl.u32 v2, $0x3  }
0xad: {  	v4 =	vshll.u32 v1, $0x3;
	v3 =	vmul.u32 $0xC00, v3  }
0xae: {  	v4 =	vand.u32 $0xC00, v4;
	v2 =	vshll.u32 v2, $0x7  }
0xaf: {  	v2 =	vand.u32 $0x380, v2;
	v3 =	vadd.s32 v4, v3  }
0xb0: {  	v1 =	vand.u32 $0x7F, v1;
	v2 =	vor.u32 v2, v3  }
0xb1: {  	v1 =	vor.u32 v1, v2;
	_ =	sdelay $0x4  }
0xb2: {  	v1 =	vld.idx.msk [tilespmem:v1+s4+$0x0], $0xffff;
	_ =	sdelay $0x4  }
0xb3: {  	[tilespmem:s20+$0xFFFFFFE0] =	vst v1  }
0xb4: {  	v1 =	vld [tilespmem:s21+$0xFFFFFFE0];
	_ =	sdelay $0x4  }
0xb5: {  	v2 =	vshra.s32 v1, $0x9  }
0xb6: {  	v3 =	vshrl.u32 v2, $0x3  }
0xb7: {  	v61 =	vshll.u32 v1, $0x3;
	v3 =	vmul.u32 $0xC00, v3  }
0xb8: {  	v4 =	vand.u32 $0xC00, v61;
	v2 =	vshll.u32 v2, $0x7  }
0xb9: {  	v2 =	vand.u32 $0x380, v2;
	v3 =	vadd.s32 v4, v3  }
0xba: {  	v1 =	vand.u32 $0x7F, v1;
	v2 =	vor.u32 v2, v3  }
0xbb: {  	v1 =	vor.u32 v1, v2;
	_ =	sdelay $0x4  }
0xbc: {  	v1 =	vld.idx.msk [tilespmem:v1+s4+$0x0], $0xffff;
	_ =	sdelay $0x4  }
0xbd: {  	[tilespmem:s20+$0xFFFFFFF0] =	vst v1  }
0xbe: {  	v1 =	vld [tilespmem:s21+$0xFFFFFFF0];
	_ =	sdelay $0x4  }
0xbf: {  	v2 =	vshra.s32 v1, $0x9  }
0xc0: {  	v3 =	vshrl.u32 v2, $0x3  }
0xc1: {  	v62 =	vshll.u32 v1, $0x3;
	v3 =	vmul.u32 $0xC00, v3  }
0xc2: {  	v4 =	vand.u32 $0xC00, v62;
	v2 =	vshll.u32 v2, $0x7  }
0xc3: {  	v2 =	vand.u32 $0x380, v2;
	v3 =	vadd.s32 v4, v3  }
0xc4: {  	v1 =	vand.u32 $0x7F, v1;
	v2 =	vor.u32 v2, v3  }
0xc5: {  	v1 =	vor.u32 v1, v2;
	_ =	sdelay $0x4  }
0xc6: {  	v1 =	vld.idx.msk [tilespmem:v1+s4+$0x0], $0xffff;
	_ =	sdelay $0x4  }
0xc7: {  	[tilespmem:s20+$0x0] =	vst v1  }
0xc8: {  	v1 =	vld [tilespmem:s21+$0x0];
	_ =	sdelay $0x4  }
0xc9: {  	v2 =	vshra.s32 v1, $0x9  }
0xca: {  	v3 =	vshrl.u32 v2, $0x3  }
0xcb: {  	v63 =	vshll.u32 v1, $0x3;
	v3 =	vmul.u32 $0xC00, v3  }
0xcc: {  	v4 =	vand.u32 $0xC00, v63;
	v2 =	vshll.u32 v2, $0x7  }
0xcd: {  	v2 =	vand.u32 $0x380, v2;
	v3 =	vadd.s32 v4, v3  }
0xce: {  	v1 =	vand.u32 $0x7F, v1;
	v2 =	vor.u32 v2, v3  }
0xcf: {  	v1 =	vor.u32 v1, v2;
	_ =	sdelay $0x4  }
0xd0: {  	p0 =	sne.s32 s19, $0x18C0;
	v1 =	vld.idx.msk [tilespmem:v1+s4+$0x0], $0xffff  }
.Ltmp2:
0xd1: {  	_ = 	snop;
	(pc) =	sbr.rel @p0 .LBB2_7-.Ltmp2, $2  }
0xd2: {  	_ =	sdelay $0x2  }
0xd3: {  	s19 =	sadd.s32 $0x40, s19;
	s21 =	sadd.s32 $0x40, s21;
	[tilespmem:s20+$0x10] =	vst v1;
	s20 =	sadd.s32 $0x40, s20  }
0xd4: {  	s20 =	sadd.s32 $0x640, s18;
	s19 =	simm.s32 $0x0  }
0xd5: {  	[hbm4b:s20+s19] =	stream.linear.scatter [tilespmem:s12], [sflag:$0x1], $0x1900, $0x38;
	[tilespmem:$0x1F200] =	vst v63  }
0xd6: {  	_ =	swait.ge [sflag:s15], $0x1900  }
0xd7: {  	[sflag:s15] =	ssyncset.done $0x0  }
0xd8: {  	s21 =	simm.s32 $0x1D920;
	s20 =	simm.s32 $0x1A730;
	[sflag:s15] =	ssyncadd.s32 $0xFFFFE700  }
.LBB2_9:
0xd9: {  	s22 =	sand.u32 $0x1FC0, s19  }
0xda: {  	v1 =	vld [tilespmem:s22+$0x1A700];
	_ =	sdelay $0x4  }
0xdb: {  	v2 =	vshra.s32 v1, $0x9  }
0xdc: {  	v3 =	vshrl.u32 v2, $0x3  }
0xdd: {  	v4 =	vshll.u32 v1, $0x3;
	v3 =	vmul.u32 $0xC00, v3  }
0xde: {  	v4 =	vand.u32 $0xC00, v4;
	v2 =	vshll.u32 v2, $0x7  }
0xdf: {  	v2 =	vand.u32 $0x380, v2;
	v3 =	vadd.s32 v4, v3  }
0xe0: {  	v1 =	vand.u32 $0x7F, v1;
	v2 =	vor.u32 v2, v3  }
0xe1: {  	v1 =	vor.u32 v1, v2;
	_ =	sdelay $0x4  }
0xe2: {  	v1 =	vld.idx.msk [tilespmem:v1+s4+$0x0], $0xffff;
	_ =	sdelay $0x4  }
0xe3: {  	[tilespmem:s21+$0xFFFFFFE0] =	vst v1  }
0xe4: {  	v1 =	vld [tilespmem:s20+$0xFFFFFFE0];
	_ =	sdelay $0x4  }
0xe5: {  	v2 =	vshra.s32 v1, $0x9  }
0xe6: {  	v3 =	vshrl.u32 v2, $0x3  }
0xe7: {  	v61 =	vshll.u32 v1, $0x3;
	v3 =	vmul.u32 $0xC00, v3  }
0xe8: {  	v4 =	vand.u32 $0xC00, v61;
	v2 =	vshll.u32 v2, $0x7  }
0xe9: {  	v2 =	vand.u32 $0x380, v2;
	v3 =	vadd.s32 v4, v3  }
0xea: {  	v1 =	vand.u32 $0x7F, v1;
	v2 =	vor.u32 v2, v3  }
0xeb: {  	v1 =	vor.u32 v1, v2;
	_ =	sdelay $0x4  }
0xec: {  	v1 =	vld.idx.msk [tilespmem:v1+s4+$0x0], $0xffff;
	_ =	sdelay $0x4  }
0xed: {  	[tilespmem:s21+$0xFFFFFFF0] =	vst v1  }
0xee: {  	v1 =	vld [tilespmem:s20+$0xFFFFFFF0];
	_ =	sdelay $0x4  }
0xef: {  	v2 =	vshra.s32 v1, $0x9  }
0xf0: {  	v3 =	vshrl.u32 v2, $0x3  }
0xf1: {  	v62 =	vshll.u32 v1, $0x3;
	v3 =	vmul.u32 $0xC00, v3  }
0xf2: {  	v4 =	vand.u32 $0xC00, v62;
	v2 =	vshll.u32 v2, $0x7  }
0xf3: {  	v2 =	vand.u32 $0x380, v2;
	v3 =	vadd.s32 v4, v3  }
0xf4: {  	v1 =	vand.u32 $0x7F, v1;
	v2 =	vor.u32 v2, v3  }
0xf5: {  	v1 =	vor.u32 v1, v2;
	_ =	sdelay $0x4  }
0xf6: {  	v1 =	vld.idx.msk [tilespmem:v1+s4+$0x0], $0xffff;
	_ =	sdelay $0x4  }
0xf7: {  	[tilespmem:s21+$0x0] =	vst v1  }
0xf8: {  	v1 =	vld [tilespmem:s20+$0x0];
	_ =	sdelay $0x4  }
0xf9: {  	v2 =	vshra.s32 v1, $0x9  }
0xfa: {  	v3 =	vshrl.u32 v2, $0x3  }
0xfb: {  	v63 =	vshll.u32 v1, $0x3;
	v3 =	vmul.u32 $0xC00, v3  }
0xfc: {  	v4 =	vand.u32 $0xC00, v63;
	v2 =	vshll.u32 v2, $0x7  }
0xfd: {  	v2 =	vand.u32 $0x380, v2;
	v3 =	vadd.s32 v4, v3  }
0xfe: {  	v1 =	vand.u32 $0x7F, v1;
	v2 =	vor.u32 v2, v3  }
0xff: {  	v1 =	vor.u32 v1, v2;
	_ =	sdelay $0x4  }
0x100: {  	p0 =	sne.s32 s19, $0x18C0;
	v1 =	vld.idx.msk [tilespmem:v1+s4+$0x0], $0xffff  }
.Ltmp3:
0x101: {  	_ = 	snop;
	(pc) =	sbr.rel @p0 .LBB2_9-.Ltmp3, $2  }
0x102: {  	_ =	sdelay $0x2  }
0x103: {  	s19 =	sadd.s32 $0x40, s19;
	s20 =	sadd.s32 $0x40, s20;
	[tilespmem:s21+$0x10] =	vst v1;
	s21 =	sadd.s32 $0x40, s21  }
0x104: {  	s17 =	sadd.s32 $0x1, s17  }
0x105: {  	p0 =	sne.s32 s17, $0x20  }
.Ltmp4:
0x106: {  	_ = 	snop;
	(pc) =	sbr.rel @p0 .LBB2_2-.Ltmp4, $3  }
0x107: {  	_ =	sdelay $0x1  }
0x108: {  	s18 =	sadd.s32 $0x960, s18  }
0x109: {  	[hbm4b:s18+s4] =	stream.linear.scatter [tilespmem:s13], [sflag:$0x2], $0x1900, $0x38;
	[tilespmem:$0x1F200] =	vst v63  }
0x10a: {  	s16 =	sadd.s32 $0x1, s16  }
0x10b: {  	_ =	swait.ge [sflag:s14], $0x1900;
	p0 =	sne.s32 s16, s9  }
.Ltmp5:
0x10c: {  	[sflag:s14] =	ssyncset.done $0x0;
	(pc) =	sbr.rel @p0 .LBB2_1-.Ltmp5, $4  }
0x10d: {  	[sflag:s14] =	ssyncadd.s32 $0xFFFFE700  }
0x10e: {  	_ =	swait.ge [sflag:s15], $0x1900  }
0x10f: {  	[sflag:s15] =	ssyncset.done $0x0  }
0x110: {  	[sflag:s15] =	ssyncadd.s32 $0xFFFFE700  }
0x111: {  	_ =	sfence.sel $0x180000  }
0x112: {  	[bflag:$0x0] =	sbarrier.arrive $0xFFFF  }
0x113: {  	p0 =	sne.s32 s2, $0x0;
	_ =	strace $0x9000004A  }
0x114: {  	s0 =	sadd.s32 @!p0 $0x100000, s0;
	[bflag:$0x2] =	sbarrier.arrive $0xFFFF  }
0x115: {  	[sflag:s0] =	ssyncadd.tile.s32 @!p0 $0x1;
	_ =	shalt  }
.Lfunc_end2:
_tile_overlayer_lowered:
.L_overlay_start_2:
0x116: {  	(tag) =	ssettag $0x2  }
0x117: {  	s0 =	rddreg [dreg:$0x0];
	s2 =	stileid.u32  }
0x118: {  	s1 =	rddreg [dreg:$0x1];
	p0 =	sne.s32 s2, $0x0  }
0x119: {  	s3 =	rddreg [dreg:$0x2];
	[bflag:$0x3] =	sbarrier.arrive $0xFFFF;
	s2 =	simm.s32 @!p0 $0x1C03  }
0x11a: {  	[timem:s3], [sflag:s2] =	dma.local @!p0 [hbm:s0], s1  }
0x11b: {  	s0 =	simm.s32 @!p0 $0x3  }
0x11c: {  	_ =	swait.ge @!p0 [sflag:s0], s1  }
0x11d: {  	s1 =	ssub.s32 @!p0 $0x0, s1;
	[sflag:s0] =	ssyncset.done @!p0 $0x0  }
0x11e: {  	[sflag:s0] =	ssyncadd.s32 @!p0 s1  }
0x11f: {  	[bflag:$0x3] =	sbarrier.arrive $0xFFFF  }
0x120: {  	_ =	shalt  }

// kernel: backproject_mask_sc.3.cloned.1.call-start
scs
__scs_entry_jumppad:
0x0: {  	(pc) =	sbr.rel $0x88, $3  }
0x1: {  	(tag) =	ssettag $0x0;
	lr =	simm.s32 $0x1  }
0x2: {  	[smem:$0x3F9C] =	sst lr;
	_ =	strace $0xD0000000  }
0x3: {  	_ = 	snop  }
0x4: {  	_ = 	snop  }
0x5: {  	_ = 	snop  }
0x6: {  	_ = 	snop  }
0x7: {  	_ = 	snop  }
__scs_overlays_trampoline_lowered:
0x8: {  	[smem:$0x3FAB] =	sst s0  }
0x9: {  	[smem:$0x3FAC] =	sst s1  }
0xa: {  	[smem:$0x3FAD] =	sst s2  }
0xb: {  	[smem:$0x3FAE] =	sst s3  }
0xc: {  	[smem:$0x3FAF] =	sst s4  }
0xd: {  	[smem:$0x3FB0] =	sst s5  }
0xe: {  	[smem:$0x3FB1] =	sst s6  }
0xf: {  	[smem:$0x3FB2] =	sst s7  }
0x10: {  	[smem:$0x3FB3] =	sst s8  }
0x11: {  	[smem:$0x3FB4] =	sst s9;
	s0 =	simm.s32 @!p0 $0x0  }
0x12: {  	s1 =	sld [smem:$0x3F9A];
	s0 =	simm.s32 @p0 $0x1  }
0x13: {  	[smem:$0x3FB5] =	sst s0;
	s0 =	simm.s32 @!p1 $0x0  }
0x14: {  	s2 =	sld [smem:$0x3F99];
	s0 =	simm.s32 @p1 $0x1  }
0x15: {  	[smem:$0x3FB6] =	sst s0;
	s0 =	simm.s32 @!p2 $0x0  }
0x16: {  	s3 =	sld [smem:$0x3FDB];
	s0 =	simm.s32 @p2 $0x1  }
0x17: {  	s4 =	simm.s32 $0x1BF5;
	[smem:$0x3FB8] =	sst s0  }
0x18: {  	s0 =	sld [smem:$0x3F9B];
	_ =	swait.ge [sflag:s4], $0x0  }
0x19: {  	s7 =	sld [smem:$0x3F9C]  }
0x1a: {  	s8 =	sadd.s32 $0xFFFFE003, lr  }
0x1b: {  	s9 =	sadd.s32 $0xFFFFFEF7, lr;
	s5 =	simm.s32 $0xFFFFFFFF;
	p2 =	slt.u32 s8, $0xFFFFF086  }
0x1c: {  	p1 =	slt.u32 s9, $0xF7A;
	s5 =	simm.s32 @!p2 $0x0  }
0x1d: {  	s5 =	simm.s32 @p1 $0x1;
	p0 =	seq.s32 s7, s2  }
0x1e: {  	s7 =	smul.u32 @!p0 $0xF7A, s2;
	p2 =	seq.s32 @!p0 s5, $0x0  }
0x1f: {  	s9 =	smul.u32 $0xF7A, s1;
	s8 =	simm.s32 @!p0 $0x1BF5;
	p2 =	por !p2, p0  }
0x20: {  	[sflag:s8] =	ssyncset.s32 @!p0 $0xFFFFF086;
	s6 =	sadd.s32 @!p0 s3, s7;
	s7 =	simm.s32 @!p0 $0x108  }
0x21: {  	s3 =	sadd.s32 s3, s9;
	s6 =	sadd.s32 @!p0 $0x88, s6;
	s7 =	simm.s32 @p2 $0x1082  }
0x22: {  	[simem:s7], [sflag:s8] =	dma.local @!p0 [hbm:s6], $0xF7A  }
0x23: {  	s9 =	sor.u32 $0xD0000000, s2;
	s6 =	simm.s32 $0x108;
	_ =	swait.ge @!p0 [sflag:s8], $0x0  }
0x24: {  	s3 =	sadd.s32 $0x88, s3;
	s6 =	simm.s32 @!p1 $0x1082;
	[sflag:s4] =	ssyncset.s32 $0xFFFFF086  }
0x25: {  	[simem:s6], [sflag:s4] =	dma.local [hbm:s3], $0xF7A  }
0x26: {  	[smem:$0x3F9C] =	sst s1;
	(tag) =	ssettag s2;
	_ =	strace s9  }
0x27: {  	s1 =	sld [smem:$0x3FAC]  }
0x28: {  	s2 =	sld [smem:$0x3FAD]  }
0x29: {  	s4 =	sld [smem:$0x3FAF]  }
0x2a: {  	p0 =	seq.s32 s5, $0x0;
	s5 =	sld [smem:$0x3FB0]  }
0x2b: {  	s6 =	sld [smem:$0x3FB1]  }
0x2c: {  	s7 =	sld [smem:$0x3FB2]  }
0x2d: {  	s3 =	simm.s32 $0x108;
	s8 =	sld [smem:$0x3FB3]  }
0x2e: {  	s3 =	simm.s32 @!p0 $0x1082;
	s9 =	sld [smem:$0x3FB4]  }
0x2f: {  	lr =	sadd.s32 s0, s3;
	s0 =	sld [smem:$0x3FAB]  }
0x30: {  	s3 =	sld [smem:$0x3FAE]  }
0x31: {  	[smem:$0x3FB7] =	sst s10  }
0x32: {  	s10 =	sld [smem:$0x3FB5];
	_ =	sdelay $0x3  }
0x33: {  	p0 =	seq.s32 s10, $0x1;
	s10 =	sld [smem:$0x3FB7];
	_ =	sdelay $0x3  }
0x34: {  	[smem:$0x3FB7] =	sst s10  }
0x35: {  	s10 =	sld [smem:$0x3FB6];
	_ =	sdelay $0x3  }
0x36: {  	p1 =	seq.s32 s10, $0x1;
	s10 =	sld [smem:$0x3FB7];
	_ =	sdelay $0x3  }
0x37: {  	[smem:$0x3FB7] =	sst s10  }
0x38: {  	s10 =	sld [smem:$0x3FB8]  }
0x39: {  	_ = 	snop;
	(pc) =	sbr.ind lr, $3  }
0x3a: {  	_ = 	snop  }
0x3b: {  	_ = 	snop  }
0x3c: {  	p2 =	seq.s32 s10, $0x1;
	s10 =	sld [smem:$0x3FB7]  }
0x3d: {  	_ =	shalt  }
0x3e: {  	_ =	shalt  }
0x3f: {  	_ =	shalt  }
0x40: {  	_ =	shalt  }
0x41: {  	_ =	shalt  }
0x42: {  	_ =	shalt  }
0x43: {  	_ =	shalt  }
0x44: {  	_ =	shalt  }
0x45: {  	_ =	shalt  }
0x46: {  	_ =	shalt  }
0x47: {  	_ =	shalt  }
0x48: {  	_ =	shalt  }
0x49: {  	_ =	shalt  }
0x4a: {  	_ =	shalt  }
0x4b: {  	_ =	shalt  }
0x4c: {  	_ =	shalt  }
0x4d: {  	_ =	shalt  }
0x4e: {  	_ =	shalt  }
0x4f: {  	_ =	shalt  }
0x50: {  	_ =	shalt  }
0x51: {  	_ =	shalt  }
0x52: {  	_ =	shalt  }
0x53: {  	_ =	shalt  }
0x54: {  	_ =	shalt  }
0x55: {  	_ =	shalt  }
0x56: {  	_ =	shalt  }
0x57: {  	_ =	shalt  }
0x58: {  	_ =	shalt  }
0x59: {  	_ =	shalt  }
0x5a: {  	_ =	shalt  }
0x5b: {  	_ =	shalt  }
0x5c: {  	_ =	shalt  }
0x5d: {  	_ =	shalt  }
0x5e: {  	_ =	shalt  }
0x5f: {  	_ =	shalt  }
0x60: {  	_ =	shalt  }
0x61: {  	_ =	shalt  }
0x62: {  	_ =	shalt  }
0x63: {  	_ =	shalt  }
0x64: {  	_ =	shalt  }
0x65: {  	_ =	shalt  }
0x66: {  	_ =	shalt  }
0x67: {  	_ =	shalt  }
0x68: {  	_ =	shalt  }
0x69: {  	_ =	shalt  }
0x6a: {  	_ =	shalt  }
0x6b: {  	_ =	shalt  }
0x6c: {  	_ =	shalt  }
0x6d: {  	_ =	shalt  }
0x6e: {  	_ =	shalt  }
0x6f: {  	_ =	shalt  }
0x70: {  	_ =	shalt  }
0x71: {  	_ =	shalt  }
0x72: {  	_ =	shalt  }
0x73: {  	_ =	shalt  }
0x74: {  	_ =	shalt  }
0x75: {  	_ =	shalt  }
0x76: {  	_ =	shalt  }
0x77: {  	_ =	shalt  }
0x78: {  	_ =	shalt  }
0x79: {  	_ =	shalt  }
0x7a: {  	_ =	shalt  }
0x7b: {  	_ =	shalt  }
0x7c: {  	_ =	shalt  }
0x7d: {  	_ =	shalt  }
0x7e: {  	_ =	shalt  }
0x7f: {  	_ =	shalt  }
0x80: {  	_ =	shalt  }
0x81: {  	_ =	shalt  }
0x82: {  	_ =	shalt  }
0x83: {  	_ =	shalt  }
0x84: {  	_ =	shalt  }
0x85: {  	_ =	shalt  }
0x86: {  	_ =	shalt  }
0x87: {  	_ =	shalt  }
.Lfunc_end0:
.L_simem_size_0:
called_computation.1_lowered:
.L_overlay_start_0:
0x88: {  	s2 =	sld [smem:$0x3FD9]  }
0x89: {  	s3 =	sld [smem:$0x3FFE];
	_ =	sdelay $0x1  }
0x8a: {  	s1 =	srdreg.scid  }
0x8b: {  	s0 =	sand.u32 $0x1, s1  }
0x8c: {  	s14 =	sshll.u32 s0, $0xA;
	s2 =	sadd.s32 s3, s2  }
0x8d: {  	s2 =	sadd.s32 s2, s14  }
0x8e: {  	[smem:$0x3FC3] =	sst s2  }
0x8f: {  	_ = 	snop  }
0x90: {  	s2 =	sld [smem:$0x3FD0];
	_ =	sdelay $0x2  }
0x91: {  	s15 =	simm.s32 $0xA;
	s4 =	simm.s32 $0x10  }
0x92: {  	[smem:s4], [sflag:s15] =	dma.local [hbm:s2], $0x1  }
0x93: {  	_ =	swait.eq [sflag:s15], $0x1  }
0x94: {  	s16 =	sld [smem:$0x10];
	[sflag:s15] =	ssyncset.done $0x0  }
0x95: {  	s17 =	sld [smem:$0x11];
	[sflag:s15] =	ssyncadd.s32 $0xFFFFFFFF  }
0x96: {  	s18 =	sld [smem:$0x12];
	(tm) =	ssettm $0x1  }
0x97: {  	s5 =	sld [smem:$0x3FFB];
	_ =	sdelay $0x3  }
0x98: {  	_ =	strace s5  }
0x99: {  	s5 =	sld [smem:$0x3FFC];
	_ =	sdelay $0x3  }
0x9a: {  	_ =	strace s5  }
0x9b: {  	s5 =	sld [smem:$0x3FFD];
	_ =	sdelay $0x3  }
0x9c: {  	_ =	strace s5  }
0x9d: {  	_ =	strace $0x8FFFFFFF  }
0x9e: {  	s19 =	sld [smem:$0x3FDB];
	_ =	sdelay $0x1  }
0x9f: {  	s6 =	simm.s32 $_scs_section_size  }
0xa0: {  	s7 =	simm.s32 $_size__tile_overlayer_lowered;
	s8 =	simm.s32 $_tile_overlayer_lowered  }
0xa1: {  	s22 =	simm.s32 $0x1BFF;
	s21 =	sshll.u32 s8, $0x1;
	s5 =	sadd.s32 s6, s19  }
0xa2: {  	s9 =	simm.s32 $0x0;
	s20 =	sshll.u32 s7, $0x1;
	s7 =	sadd.s32 s21, s5  }
0xa3: {  	[timem:s9], [sflag:s22] =	dma.local [hbm:s7], s20  }
0xa4: {  	_ =	swait.ge [sflag:s22], s20  }
0xa5: {  	s6 =	ssub.s32 $0x0, s20;
	[sflag:s22] =	ssyncset.done $0x0  }
0xa6: {  	[sflag:s22] =	ssyncadd.s32 s6;
	_ =	sdelay $0x1  }
0xa7: {  	s23 =	simm.s32 $0x1B8B  }
0xa8: {  	_ =	swait.ge [sflag:s23], $0x1  }
0xa9: {  	[sflag:s23] =	ssyncset.done $0x0  }
0xaa: {  	s25 =	simm.s32 $0x1B8E;
	s24 =	sld [smem:$0x3FFE];
	[sflag:s23] =	ssyncadd.s32 $0xFFFFFFFF  }
0xab: {  	s26 =	simm.s32 $execute0_lowered;
	[smem:$0x3FD2] =	sst s25  }
0xac: {  	s7 =	sshll.u32 s26, $0x1;
	_ =	strace $0x80000046;
	[dreg:$0x1] =	wrdreg $0xFFFFFFFF  }
0xad: {  	s28 =	simm.s32 $_size_execute0_lowered;
	s5 =	sadd.s32 s5, s7;
	[dreg:$0x0] =	wrdreg $0x0  }
0xae: {  	s7 =	sshll.u32 s28, $0x1;
	[dreg:$0x2] =	wrdreg s5  }
0xaf: {  	[dreg:$0x3] =	wrdreg s7  }
0xb0: {  	[dreg:$0x4] =	wrdreg $0xC0  }
0xb1: {  	_ =	task [dreg:s9], $0x5FFFF  }
0xb2: {  	[dreg:$0x1] =	wrdreg $0xFFFFFFFF  }
0xb3: {  	[dreg:$0x0] =	wrdreg $0x60  }
0xb4: {  	[dreg:$0x2] =	wrdreg s18  }
0xb5: {  	[dreg:$0x3] =	wrdreg s24  }
0xb6: {  	[dreg:$0x4] =	wrdreg s16  }
0xb7: {  	[dreg:$0x5] =	wrdreg s17  }
0xb8: {  	[dreg:$0x6] =	wrdreg $0x9  }
0xb9: {  	_ =	task.clear_ibuf [dreg:s9], $0x7FFFF;
	_ =	strace $0x90000046  }
0xba: {  	s29 =	simm.s32 $0x9;
	_ =	strace $0x80000048  }
0xbb: {  	_ =	swait.ge [sflag:s29], $0x1  }
0xbc: {  	[sflag:s29] =	ssyncadd.s32 $0xFFFFFFFF  }
0xbd: {  	_ =	strace $0x90000048  }
0xbe: {  	_ =	sfence  }
0xbf: {  	s30 =	sld [smem:$0x0];
	_ =	sdelay $0x2  }
0xc0: {  	s31 =	sshll.u32 s1, $0xD;
	s1 =	sshrl.u32 s1, $0x2  }
0xc1: {  	s3 =	sand.u32 $0x4000, s31;
	s1 =	sadd.s32 s1, s30  }
0xc2: {  	s0 =	sor.u32 s3, s0;
	s1 =	sshll.u32 s1, $0x11  }
0xc3: {  	s0 =	sor.u32 s1, s0  }
0xc4: {  	s0 =	sadd.s32 $0x8F2B, s0  }
0xc5: {  	[sflag:s0] =	ssyncadd.remote.s32 $0x1  }
0xc6: {  	_ =	sfence.sel $0xFFFF  }
0xc7: {  	[dreg:$0x0] =	wrdreg $0xFFFFFFFF;
	(pc) =	sbr.abs _section_cstart, $3  }
0xc8: {  	[dreg:$0x1] =	wrdreg $0xFFFFFFFF  }
0xc9: {  	_ =	task.clear_ibuf [dreg:s9], $0x2FFFF;
	_ =	strace $0x9FFFFFFF  }
0xca: {  	(tm) =	ssettm $0x7FFFFFFF  }
0xcb: {  	_ =	shalt  }
tec
execute0_lowered:
.L_overlay_start_1:
0x0: {  	(tag) =	ssettag $0x1  }
0x1: {  	s0 =	rddreg [dreg:$0x0]  }
0x2: {  	s1 =	srdreg.scid;
	s2 =	rddreg [dreg:$0x1]  }
0x3: {  	s7 =	stileid.u32;
	s4 =	rddreg [dreg:$0x2]  }
0x4: {  	s6 =	rddreg [dreg:$0x3];
	s30 =	simm.s32 $0x1;
	s31 =	simm.s32 $0x15000  }
0x5: {  	s1 =	sand.u32 $0x1, s1;
	s3 =	sshll.u32 s7, $0x2;
	s7 =	sshrl.u32 s7, $0x1  }
0x6: {  	s9 =	sadd.s32 $0x8200, s2;
	s10 =	sadd.s32 $0x1E00, s2;
	s12 =	sadd.s32 $0x27600, s2  }
0x7: {  	s14 =	sadd.s32 $0x2DA00, s2;
	s5 =	sshll.u32 s1, $0x1;
	s11 =	smul.u32 $0x6400, s7  }
0x8: {  	s3 =	sand.u32 $0x4, s3;
	s1 =	ssub.s32 $0x2, s1;
	s13 =	smul.u32 $0x2A00, s7  }
0x9: {  	s7 =	smul.u32 $0x12C00, s7;
	s3 =	sor.u32 s5, s3;
	s5 =	sadd.s32 $0xE600, s2  }
0xa: {  	s15 =	sshrl.u32 s1, $0x1;
	s2 =	sadd.s32 $0x14A00, s2;
	s8 =	smul.u32 $0xC80, s3  }
0xb: {  	s19 =	ssub.s32 s1, s15;
	s1 =	sadd.s32 s0, s13;
	s18 =	smul.u32 $0x190, s3  }
0xc: {  	s3 =	sor.u32 $0x1, s3;
	s24 =	sadd.s32 $0x6400, s7;
	s16 =	sadd.s32 s11, s8  }
0xd: {  	s29 =	smax.u32 s19, $0x1;
	s13 =	sadd.s32 s6, s18;
	s26 =	sshrl.u32 s16, $0x3  }
0xe: {  	s19 =	simm.s32 $0x15C80;
	[dreg:$0x9] =	wrdreg s13;
	s16 =	sadd.s32 s5, s26  }
0xf: {  	s22 =	sshrl.u32 s8, $0x3;
	s17 =	sadd.s32 s9, s26;
	[dreg:$0x5] =	wrdreg s16  }
0x10: {  	s13 =	sadd.s32 s6, s22;
	s20 =	sadd.s32 s4, s26;
	[dreg:$0x6] =	wrdreg s17  }
0x11: {  	s22 =	sadd.s32 s24, s8;
	s21 =	sadd.s32 s10, s26;
	[dreg:$0x7] =	wrdreg s20  }
0x12: {  	s23 =	sadd.s32 s12, s26;
	s0 =	sadd.s32 s14, s26;
	[dreg:$0x8] =	wrdreg s21  }
0x13: {  	s26 =	sadd.s32 $0xC800, s7;
	s16 =	smul.u32 $0xC80, s3;
	[dreg:$0xa] =	wrdreg s23  }
0x14: {  	s3 =	smul.u32 $0x190, s3;
	[dreg:$0xb] =	wrdreg s0;
	s21 =	sadd.s32 s7, s8  }
0x15: {  	s8 =	sadd.s32 s26, s8;
	s23 =	sshrl.u32 s22, $0x3;
	s11 =	sadd.s32 s11, s16  }
0x16: {  	s3 =	sadd.s32 s6, s3;
	s25 =	sshrl.u32 s16, $0x3;
	s7 =	sadd.s32 s7, s16  }
0x17: {  	s0 =	sadd.s32 s24, s16;
	s24 =	sshrl.u32 s8, $0x3;
	s8 =	simm.s32 $0x1C080  }
0x18: {  	[dreg:$0xc] =	wrdreg s3;
	s3 =	sadd.s32 s6, s25;
	s11 =	sshrl.u32 s11, $0x3  }
0x19: {  	s6 =	sadd.s32 s26, s16;
	s16 =	simm.s32 $0x0;
	s25 =	sshrl.u32 s7, $0x3  }
0x1a: {  	s0 =	sshrl.u32 s0, $0x3;
	s7 =	simm.s32 $0x1B400;
	s5 =	sadd.s32 s5, s11  }
0x1b: {  	s17 =	sadd.s32 s9, s11;
	s4 =	sadd.s32 s4, s11;
	s18 =	sadd.s32 s10, s11  }
0x1c: {  	s20 =	sadd.s32 s12, s11;
	s15 =	sadd.s32 s14, s11;
	[smem:$0x7FF] =	sst s16  }
0x1d: {  	s22 =	sadd.s32 s2, s0;
	s26 =	sshrl.u32 s6, $0x3;
	[dreg:$0xd] =	wrdreg s5  }
0x1e: {  	s28 =	sadd.s32 $0x1900, s3;
	s0 =	simm.s32 $0x16900;
	[dreg:$0xe] =	wrdreg s17  }
0x1f: {  	s6 =	simm.s32 $0x1A780;
	s9 =	simm.s32 $0x1CD00;
	[dreg:$0xf] =	wrdreg s4  }
0x20: {  	s10 =	simm.s32 $0x1D980;
	s11 =	simm.s32 $0x0;
	[dreg:$0x10] =	wrdreg s18  }
0x21: {  	[dreg:$0x11] =	wrdreg s20;
	s4 =	sshrl.u32 s21, $0x3;
	s18 =	sadd.s32 s2, s23  }
0x22: {  	s20 =	sadd.s32 s2, s24;
	s21 =	sadd.s32 s2, s25;
	s23 =	sadd.s32 s2, s26  }
0x23: {  	s24 =	sadd.s32 $0xC80, s13;
	s25 =	sadd.s32 $0x1900, s13;
	s26 =	sadd.s32 $0xC80, s3  }
0x24: {  	s3 =	simm.s32 $0x18200;
	s5 =	simm.s32 $0x19B00;
	s17 =	sadd.s32 s2, s4  }
0x25: {  	v0 =	vimm.s32 $0x0;
	_ =	strace $0x80000047;
	s2 =	simm.s32 $0x17580;
	s4 =	simm.s32 $0x18E80  }
.LBB2_1:
0x26: {  	[tilespmem:s16], [sflag:$0x1] =	stream.linear.gather [hbm4b:s1+s16], $0x15000, $0x38;
	[tilespmem:$0x1E600] =	vst v63  }
0x27: {  	_ =	swait.ge [sflag:s30], $0x15000  }
0x28: {  	[sflag:s30] =	ssyncset.done $0x0  }
0x29: {  	s12 =	rddreg [dreg:$0x5];
	[sflag:s30] =	ssyncadd.s32 $0xFFFEB000  }
0x2a: {  	[tilespmem:s31], [sflag:$0x1] =	stream.linear.gather [hbm4b:s12+s16], $0xC80, $0x38;
	[tilespmem:$0x1E600] =	vst v63  }
0x2b: {  	_ =	swait.ge [sflag:s30], $0xC80  }
0x2c: {  	[sflag:s30] =	ssyncset.done $0x0  }
0x2d: {  	s13 =	rddreg [dreg:$0x6];
	[sflag:s30] =	ssyncadd.s32 $0xFFFFF380  }
0x2e: {  	[tilespmem:s19], [sflag:$0x1] =	stream.linear.gather [hbm4b:s13+s16], $0xC80, $0x38;
	[tilespmem:$0x1E600] =	vst v63  }
0x2f: {  	_ =	swait.ge [sflag:s30], $0xC80  }
0x30: {  	[sflag:s30] =	ssyncset.done $0x0  }
0x31: {  	s14 =	rddreg [dreg:$0x7];
	[sflag:s30] =	ssyncadd.s32 $0xFFFFF380  }
0x32: {  	[tilespmem:s0], [sflag:$0x1] =	stream.linear.gather [hbm4b:s14+s16], $0xC80, $0x38;
	[tilespmem:$0x1E600] =	vst v63  }
0x33: {  	_ =	swait.ge [sflag:s30], $0xC80  }
0x34: {  	[sflag:s30] =	ssyncset.done $0x0  }
0x35: {  	s13 =	rddreg [dreg:$0x8];
	[sflag:s30] =	ssyncadd.s32 $0xFFFFF380  }
0x36: {  	[tilespmem:s2], [sflag:$0x1] =	stream.linear.gather [hbm4b:s13+s16], $0xC80, $0x38;
	[tilespmem:$0x1E600] =	vst v63  }
0x37: {  	_ =	swait.ge [sflag:s30], $0xC80  }
0x38: {  	[sflag:s30] =	ssyncset.done $0x0  }
0x39: {  	s14 =	rddreg [dreg:$0x9];
	[sflag:s30] =	ssyncadd.s32 $0xFFFFF380  }
0x3a: {  	[tilespmem:s3], [sflag:$0x1] =	stream.linear.gather [hbm4b:s14+s16], $0xC80, $0x38;
	[tilespmem:$0x1E600] =	vst v63  }
0x3b: {  	_ =	swait.ge [sflag:s30], $0xC80  }
0x3c: {  	[sflag:s30] =	ssyncset.done $0x0  }
0x3d: {  	[sflag:s30] =	ssyncadd.s32 $0xFFFFF380  }
0x3e: {  	[tilespmem:s4], [sflag:$0x1] =	stream.linear.gather [hbm4b:s24+s16], $0xC80, $0x38;
	[tilespmem:$0x1E600] =	vst v63  }
0x3f: {  	_ =	swait.ge [sflag:s30], $0xC80  }
0x40: {  	[sflag:s30] =	ssyncset.done $0x0  }
0x41: {  	[sflag:s30] =	ssyncadd.s32 $0xFFFFF380  }
0x42: {  	[tilespmem:s5], [sflag:$0x1] =	stream.linear.gather [hbm4b:s25+s16], $0xC80, $0x38;
	[tilespmem:$0x1E600] =	vst v63  }
0x43: {  	_ =	swait.ge [sflag:s30], $0xC80  }
0x44: {  	[sflag:s30] =	ssyncset.done $0x0  }
0x45: {  	s12 =	simm.s32 $0x0;
	[sflag:s30] =	ssyncadd.s32 $0xFFFFF380  }
0x46: {  	v1 =	vld [tilespmem:s12+$0x15000];
	_ =	sdelay $0x7  }
0x47: {  	v1 =	vld.idx.msk [tilespmem:v1+s16+$0x0], $0xffff;
	_ =	sdelay $0x1  }
0x48: {  	v5 =	vld [tilespmem:s12+$0x17580]  }
0x49: {  	v4 =	vld [tilespmem:s12+$0x16900]  }
0x4a: {  	v3 =	vld [tilespmem:s12+$0x15C80]  }
0x4b: {  	v2 =	vld [tilespmem:s12+$0x18E80];
	v6 =	vadd.f32 $-3.999999910e-02, v1;
	v7 =	vadd.f32 $3.999999910e-02, v1  }
0x4c: {  	v1 =	vld [tilespmem:s12+$0x18200]  }
0x4d: {  	s13 =	simm.s32 $0x10;
	s14 =	simm.s32 $0x80;
	vm0 =	vgt.f32 v5, v6;
	vm1 =	vlt.f32 v5, v7;
	v5 =	vld [tilespmem:s12+$0x19B00]  }
.LBB2_2:
0x4e: {  	p0 =	sne.s32 s14, $0x31C0;
	v6 =	vld [tilespmem:s13+$0x15000];
	vm0 =	vmand vm0, vm1;
	vm1 =	vne.s32 v4, $0x0  }
0x4f: {  	vm0 =	vmand vm0, vm1  }
0x50: {  	v3 =	vnsel vm0, $0x1C000, v3;
	v4 =	vsel vm0, $0x1, v0;
	v7 =	vsel vm0, $0x3F800000, v0  }
0x51: {  	[tilespmem:s12+$0x1A780] =	vst v3;
	v1 =	vmul.f32 v7, v1;
	v2 =	vmul.f32 v7, v2  }
0x52: {  	[tilespmem:s12+$0x1B400] =	vst v4;
	v3 =	vmul.f32 v7, v5  }
0x53: {  	[tilespmem:s12+$0x1C080] =	vst v1  }
0x54: {  	[tilespmem:s12+$0x1CD00] =	vst v2  }
0x55: {  	[tilespmem:s12+$0x1D980] =	vst v3;
	s12 =	smov.u32 s13  }
0x56: {  	v1 =	vld.idx.msk [tilespmem:v6+s16+$0x0], $0xffff;
	_ =	sdelay $0x2  }
0x57: {  	v5 =	vld [tilespmem:s12+$0x17580]  }
.Ltmp0:
0x58: {  	v4 =	vld [tilespmem:s12+$0x16900];
	(pc) =	sbr.rel @p0 .LBB2_2-.Ltmp0, $4  }
0x59: {  	v3 =	vld [tilespmem:s12+$0x15C80]  }
0x5a: {  	v6 =	vadd.f32 $-3.999999910e-02, v1;
	v7 =	vadd.f32 $3.999999910e-02, v1;
	v1 =	vld [tilespmem:s12+$0x18200]  }
0x5b: {  	v2 =	vld [tilespmem:s12+$0x18E80]  }
0x5c: {  	s13 =	sshra.s32 s14, $0x2;
	s14 =	sadd.s32 $0x40, s14;
	vm0 =	vgt.f32 v5, v6;
	vm1 =	vlt.f32 v5, v7;
	v5 =	vld [tilespmem:s12+$0x19B00]  }
0x5d: {  	v6 =	vld [tilespmem:s13+$0x15000];
	vm0 =	vmand vm0, vm1;
	vm1 =	vne.s32 v4, $0x0  }
0x5e: {  	vm0 =	vmand vm0, vm1  }
0x5f: {  	v3 =	vnsel vm0, $0x1C000, v3;
	v4 =	vsel vm0, $0x3F800000, v0  }
0x60: {  	v7 =	vsel vm0, $0x1, v0;
	[tilespmem:s12+$0x1A780] =	vst v3;
	v1 =	vmul.f32 v4, v1  }
0x61: {  	v2 =	vmul.f32 v4, v2;
	[tilespmem:s12+$0x1B400] =	vst v7  }
0x62: {  	v3 =	vmul.f32 v4, v5;
	[tilespmem:s12+$0x1C080] =	vst v1  }
0x63: {  	[tilespmem:s12+$0x1CD00] =	vst v2  }
0x64: {  	[tilespmem:s12+$0x1D980] =	vst v3  }
0x65: {  	v1 =	vld.idx.msk [tilespmem:v6+s16+$0x0], $0xffff;
	_ =	sdelay $0x1  }
0x66: {  	v2 =	vld [tilespmem:s13+$0x17580]  }
0x67: {  	v3 =	vld [tilespmem:s13+$0x16900];
	_ =	sdelay $0x1  }
0x68: {  	v4 =	vld [tilespmem:s13+$0x15C80];
	v5 =	vadd.f32 $-3.999999910e-02, v1;
	v1 =	vadd.f32 $3.999999910e-02, v1  }
0x69: {  	v6 =	vld [tilespmem:s13+$0x18200]  }
0x6a: {  	v7 =	vld [tilespmem:s13+$0x18E80];
	vm0 =	vgt.f32 v2, v5;
	vm1 =	vlt.f32 v2, v1  }
0x6b: {  	v1 =	vld [tilespmem:s13+$0x19B00];
	vm0 =	vmand vm0, vm1;
	vm1 =	vne.s32 v3, $0x0  }
0x6c: {  	vm0 =	vmand vm0, vm1  }
0x6d: {  	v2 =	vnsel vm0, $0x1C000, v4;
	v3 =	vsel vm0, $0x3F800000, v0  }
0x6e: {  	v4 =	vsel vm0, $0x1, v0;
	[tilespmem:s13+$0x1A780] =	vst v2;
	v2 =	vmul.f32 v3, v6  }
0x6f: {  	v5 =	vmul.f32 v3, v7;
	[tilespmem:s13+$0x1B400] =	vst v4  }
0x70: {  	v1 =	vmul.f32 v3, v1;
	[tilespmem:s13+$0x1C080] =	vst v2  }
0x71: {  	[tilespmem:s13+$0x1CD00] =	vst v5  }
0x72: {  	s14 =	rddreg [dreg:$0xa];
	s12 =	simm.s32 $0x0;
	[tilespmem:s13+$0x1D980] =	vst v1  }
0x73: {  	[hbm4b:s14+s12] =	stream.linear.scatter [tilespmem:s6], [sflag:$0x1], $0xC80, $0x38;
	[tilespmem:$0x1E600] =	vst v63  }
0x74: {  	_ =	swait.ge [sflag:s30], $0xC80  }
0x75: {  	[sflag:s30] =	ssyncset.done $0x0  }
0x76: {  	s14 =	rddreg [dreg:$0xb];
	[sflag:s30] =	ssyncadd.s32 $0xFFFFF380  }
0x77: {  	[hbm4b:s14+s12] =	stream.linear.scatter [tilespmem:s7], [sflag:$0x1], $0xC80, $0x38;
	[tilespmem:$0x1E600] =	vst v63  }
0x78: {  	_ =	swait.ge [sflag:s30], $0xC80  }
0x79: {  	[sflag:s30] =	ssyncset.done $0x0  }
0x7a: {  	[sflag:s30] =	ssyncadd.s32 $0xFFFFF380  }
0x7b: {  	[hbm4b:s17+s12] =	stream.linear.scatter [tilespmem:s8], [sflag:$0x1], $0xC80, $0x38;
	[tilespmem:$0x1E600] =	vst v63  }
0x7c: {  	_ =	swait.ge [sflag:s30], $0xC80  }
0x7d: {  	[sflag:s30] =	ssyncset.done $0x0  }
0x7e: {  	[sflag:s30] =	ssyncadd.s32 $0xFFFFF380  }
0x7f: {  	[hbm4b:s18+s12] =	stream.linear.scatter [tilespmem:s9], [sflag:$0x1], $0xC80, $0x38;
	[tilespmem:$0x1E600] =	vst v63  }
0x80: {  	_ =	swait.ge [sflag:s30], $0xC80  }
0x81: {  	[sflag:s30] =	ssyncset.done $0x0  }
0x82: {  	[sflag:s30] =	ssyncadd.s32 $0xFFFFF380  }
0x83: {  	[hbm4b:s20+s12] =	stream.linear.scatter [tilespmem:s10], [sflag:$0x1], $0xC80, $0x38;
	[tilespmem:$0x1E600] =	vst v63  }
0x84: {  	_ =	swait.ge [sflag:s30], $0xC80  }
0x85: {  	[sflag:s30] =	ssyncset.done $0x0  }
0x86: {  	[sflag:s30] =	ssyncadd.s32 $0xFFFFF380  }
0x87: {  	[tilespmem:s12], [sflag:$0x1] =	stream.linear.gather [hbm4b:s1+s12], $0x15000, $0x38;
	[tilespmem:$0x1E600] =	vst v63  }
0x88: {  	_ =	swait.ge [sflag:s30], $0x15000  }
0x89: {  	[sflag:s30] =	ssyncset.done $0x0  }
0x8a: {  	s14 =	rddreg [dreg:$0xd];
	[sflag:s30] =	ssyncadd.s32 $0xFFFEB000  }
0x8b: {  	[tilespmem:s31], [sflag:$0x1] =	stream.linear.gather [hbm4b:s14+s12], $0xC80, $0x38;
	[tilespmem:$0x1E600] =	vst v63  }
0x8c: {  	_ =	swait.ge [sflag:s30], $0xC80  }
0x8d: {  	[sflag:s30] =	ssyncset.done $0x0  }
0x8e: {  	s14 =	rddreg [dreg:$0xe];
	[sflag:s30] =	ssyncadd.s32 $0xFFFFF380  }
0x8f: {  	[tilespmem:s19], [sflag:$0x1] =	stream.linear.gather [hbm4b:s14+s12], $0xC80, $0x38;
	[tilespmem:$0x1E600] =	vst v63  }
0x90: {  	_ =	swait.ge [sflag:s30], $0xC80  }
0x91: {  	[sflag:s30] =	ssyncset.done $0x0  }
0x92: {  	s14 =	rddreg [dreg:$0xf];
	[sflag:s30] =	ssyncadd.s32 $0xFFFFF380  }
0x93: {  	[tilespmem:s0], [sflag:$0x1] =	stream.linear.gather [hbm4b:s14+s12], $0xC80, $0x38;
	[tilespmem:$0x1E600] =	vst v63  }
0x94: {  	_ =	swait.ge [sflag:s30], $0xC80  }
0x95: {  	[sflag:s30] =	ssyncset.done $0x0  }
0x96: {  	s14 =	rddreg [dreg:$0x10];
	[sflag:s30] =	ssyncadd.s32 $0xFFFFF380  }
0x97: {  	[tilespmem:s2], [sflag:$0x1] =	stream.linear.gather [hbm4b:s14+s12], $0xC80, $0x38;
	[tilespmem:$0x1E600] =	vst v63  }
0x98: {  	_ =	swait.ge [sflag:s30], $0xC80  }
0x99: {  	[sflag:s30] =	ssyncset.done $0x0  }
0x9a: {  	s14 =	rddreg [dreg:$0xc];
	[sflag:s30] =	ssyncadd.s32 $0xFFFFF380  }
0x9b: {  	[tilespmem:s3], [sflag:$0x1] =	stream.linear.gather [hbm4b:s14+s12], $0xC80, $0x38;
	[tilespmem:$0x1E600] =	vst v63  }
0x9c: {  	_ =	swait.ge [sflag:s30], $0xC80  }
0x9d: {  	[sflag:s30] =	ssyncset.done $0x0  }
0x9e: {  	[sflag:s30] =	ssyncadd.s32 $0xFFFFF380  }
0x9f: {  	[tilespmem:s4], [sflag:$0x1] =	stream.linear.gather [hbm4b:s26+s12], $0xC80, $0x38;
	[tilespmem:$0x1E600] =	vst v63  }
0xa0: {  	_ =	swait.ge [sflag:s30], $0xC80  }
0xa1: {  	[sflag:s30] =	ssyncset.done $0x0  }
0xa2: {  	[sflag:s30] =	ssyncadd.s32 $0xFFFFF380  }
0xa3: {  	[tilespmem:s5], [sflag:$0x1] =	stream.linear.gather [hbm4b:s28+s12], $0xC80, $0x38;
	[tilespmem:$0x1E600] =	vst v63  }
0xa4: {  	_ =	swait.ge [sflag:s30], $0xC80  }
0xa5: {  	[sflag:s30] =	ssyncset.done $0x0  }
0xa6: {  	s12 =	simm.s32 $0x0;
	[sflag:s30] =	ssyncadd.s32 $0xFFFFF380  }
0xa7: {  	v1 =	vld [tilespmem:s12+$0x15000];
	_ =	sdelay $0x7  }
0xa8: {  	v1 =	vld.idx.msk [tilespmem:v1+s16+$0x0], $0xffff;
	_ =	sdelay $0x1  }
0xa9: {  	v5 =	vld [tilespmem:s12+$0x17580]  }
0xaa: {  	v4 =	vld [tilespmem:s12+$0x16900]  }
0xab: {  	v3 =	vld [tilespmem:s12+$0x15C80]  }
0xac: {  	v2 =	vld [tilespmem:s12+$0x18E80];
	v6 =	vadd.f32 $-3.999999910e-02, v1;
	v7 =	vadd.f32 $3.999999910e-02, v1  }
0xad: {  	v1 =	vld [tilespmem:s12+$0x18200]  }
0xae: {  	s13 =	simm.s32 $0x10;
	s14 =	simm.s32 $0x80;
	vm0 =	vgt.f32 v5, v6;
	vm1 =	vlt.f32 v5, v7;
	v5 =	vld [tilespmem:s12+$0x19B00]  }
.LBB2_4:
0xaf: {  	p0 =	sne.s32 s14, $0x31C0;
	v6 =	vld [tilespmem:s13+$0x15000];
	vm0 =	vmand vm0, vm1;
	vm1 =	vne.s32 v4, $0x0  }
0xb0: {  	vm0 =	vmand vm0, vm1  }
0xb1: {  	v3 =	vnsel vm0, $0x1C000, v3;
	v4 =	vsel vm0, $0x1, v0;
	v7 =	vsel vm0, $0x3F800000, v0  }
0xb2: {  	[tilespmem:s12+$0x1A780] =	vst v3;
	v1 =	vmul.f32 v7, v1;
	v2 =	vmul.f32 v7, v2  }
0xb3: {  	[tilespmem:s12+$0x1B400] =	vst v4;
	v3 =	vmul.f32 v7, v5  }
0xb4: {  	[tilespmem:s12+$0x1C080] =	vst v1  }
0xb5: {  	[tilespmem:s12+$0x1CD00] =	vst v2  }
0xb6: {  	[tilespmem:s12+$0x1D980] =	vst v3;
	s12 =	smov.u32 s13  }
0xb7: {  	v1 =	vld.idx.msk [tilespmem:v6+s16+$0x0], $0xffff;
	_ =	sdelay $0x2  }
0xb8: {  	v5 =	vld [tilespmem:s12+$0x17580]  }
.Ltmp1:
0xb9: {  	v4 =	vld [tilespmem:s12+$0x16900];
	(pc) =	sbr.rel @p0 .LBB2_4-.Ltmp1, $4  }
0xba: {  	v3 =	vld [tilespmem:s12+$0x15C80]  }
0xbb: {  	v6 =	vadd.f32 $-3.999999910e-02, v1;
	v7 =	vadd.f32 $3.999999910e-02, v1;
	v1 =	vld [tilespmem:s12+$0x18200]  }
0xbc: {  	v2 =	vld [tilespmem:s12+$0x18E80]  }
0xbd: {  	s13 =	sshra.s32 s14, $0x2;
	s14 =	sadd.s32 $0x40, s14;
	vm0 =	vgt.f32 v5, v6;
	vm1 =	vlt.f32 v5, v7;
	v5 =	vld [tilespmem:s12+$0x19B00]  }
0xbe: {  	v6 =	vld [tilespmem:s13+$0x15000];
	vm0 =	vmand vm0, vm1;
	vm12 =	vne.s32 v4, $0x0  }
0xbf: {  	vm0 =	vmand vm0, vm12  }
0xc0: {  	v3 =	vnsel vm0, $0x1C000, v3;
	v58 =	vsel vm0, $0x3F800000, v0  }
0xc1: {  	v7 =	vsel vm0, $0x1, v0;
	[tilespmem:s12+$0x1A780] =	vst v3;
	v1 =	vmul.f32 v58, v1  }
0xc2: {  	v2 =	vmul.f32 v58, v2;
	[tilespmem:s12+$0x1B400] =	vst v7  }
0xc3: {  	v3 =	vmul.f32 v58, v5;
	[tilespmem:s12+$0x1C080] =	vst v1  }
0xc4: {  	[tilespmem:s12+$0x1CD00] =	vst v2  }
0xc5: {  	[tilespmem:s12+$0x1D980] =	vst v3  }
0xc6: {  	v1 =	vld.idx.msk [tilespmem:v6+s16+$0x0], $0xffff;
	_ =	sdelay $0x1  }
0xc7: {  	v2 =	vld [tilespmem:s13+$0x17580]  }
0xc8: {  	v3 =	vld [tilespmem:s13+$0x16900];
	_ =	sdelay $0x1  }
0xc9: {  	v59 =	vld [tilespmem:s13+$0x15C80];
	v60 =	vadd.f32 $-3.999999910e-02, v1;
	v1 =	vadd.f32 $3.999999910e-02, v1  }
0xca: {  	v61 =	vld [tilespmem:s13+$0x18200]  }
0xcb: {  	v7 =	vld [tilespmem:s13+$0x18E80];
	vm13 =	vgt.f32 v2, v60;
	vm14 =	vlt.f32 v2, v1  }
0xcc: {  	vm15 =	vne.s32 v3, $0x0;
	v1 =	vld [tilespmem:s13+$0x19B00];
	vm0 =	vmand vm13, vm14  }
0xcd: {  	vm0 =	vmand vm0, vm15  }
0xce: {  	v2 =	vnsel vm0, $0x1C000, v59;
	v3 =	vsel vm0, $0x3F800000, v0  }
0xcf: {  	v62 =	vsel vm0, $0x1, v0;
	[tilespmem:s13+$0x1A780] =	vst v2;
	v2 =	vmul.f32 v3, v61  }
0xd0: {  	v63 =	vmul.f32 v3, v7;
	[tilespmem:s13+$0x1B400] =	vst v62  }
0xd1: {  	v1 =	vmul.f32 v3, v1;
	[tilespmem:s13+$0x1C080] =	vst v2  }
0xd2: {  	[tilespmem:s13+$0x1CD00] =	vst v63  }
0xd3: {  	s14 =	rddreg [dreg:$0x11];
	[tilespmem:s13+$0x1D980] =	vst v1  }
0xd4: {  	[hbm4b:s14+s16] =	stream.linear.scatter [tilespmem:s6], [sflag:$0x1], $0xC80, $0x38;
	[tilespmem:$0x1E600] =	vst v63  }
0xd5: {  	_ =	swait.ge [sflag:s30], $0xC80  }
0xd6: {  	[sflag:s30] =	ssyncset.done $0x0  }
0xd7: {  	[sflag:s30] =	ssyncadd.s32 $0xFFFFF380  }
0xd8: {  	[hbm4b:s15+s16] =	stream.linear.scatter [tilespmem:s7], [sflag:$0x1], $0xC80, $0x38;
	[tilespmem:$0x1E600] =	vst v63  }
0xd9: {  	_ =	swait.ge [sflag:s30], $0xC80  }
0xda: {  	[sflag:s30] =	ssyncset.done $0x0  }
0xdb: {  	[sflag:s30] =	ssyncadd.s32 $0xFFFFF380  }
0xdc: {  	[hbm4b:s21+s16] =	stream.linear.scatter [tilespmem:s8], [sflag:$0x1], $0xC80, $0x38;
	[tilespmem:$0x1E600] =	vst v63  }
0xdd: {  	_ =	swait.ge [sflag:s30], $0xC80  }
0xde: {  	[sflag:s30] =	ssyncset.done $0x0  }
0xdf: {  	[sflag:s30] =	ssyncadd.s32 $0xFFFFF380  }
0xe0: {  	[hbm4b:s22+s16] =	stream.linear.scatter [tilespmem:s9], [sflag:$0x1], $0xC80, $0x38;
	[tilespmem:$0x1E600] =	vst v63  }
0xe1: {  	s11 =	sadd.s32 $0x1, s11;
	_ =	swait.ge [sflag:s30], $0xC80  }
0xe2: {  	p0 =	sne.s32 s11, s29;
	[sflag:s30] =	ssyncset.done $0x0  }
.Ltmp2:
0xe3: {  	[sflag:s30] =	ssyncadd.s32 $0xFFFFF380;
	(pc) =	sbr.rel @p0 .LBB2_1-.Ltmp2, $4  }
0xe4: {  	[hbm4b:s23+s16] =	stream.linear.scatter [tilespmem:s10], [sflag:$0x1], $0xC80, $0x38;
	[tilespmem:$0x1E600] =	vst v63  }
0xe5: {  	_ =	swait.ge [sflag:s30], $0xC80  }
0xe6: {  	[sflag:s30] =	ssyncset.done $0x0  }
0xe7: {  	[sflag:s30] =	ssyncadd.s32 $0xFFFFF380  }
0xe8: {  	_ =	sfence.sel $0x180000  }
0xe9: {  	[bflag:$0x0] =	sbarrier.arrive $0xFFFF  }
0xea: {  	_ =	strace $0x90000047  }
0xeb: {  	s0 =	stileid.u32;
	[bflag:$0x2] =	sbarrier.arrive $0xFFFF  }
0xec: {  	p0 =	sne.s32 s0, $0x0;
	s0 =	rddreg [dreg:$0x4]  }
0xed: {  	s0 =	sadd.s32 @!p0 $0x100000, s0  }
0xee: {  	[sflag:s0] =	ssyncadd.tile.s32 @!p0 $0x1;
	_ =	shalt  }
.Lfunc_end2:
_tile_overlayer_lowered:
.L_overlay_start_2:
0xef: {  	(tag) =	ssettag $0x2  }
0xf0: {  	s0 =	rddreg [dreg:$0x0];
	s2 =	stileid.u32  }
0xf1: {  	s1 =	rddreg [dreg:$0x1];
	p0 =	sne.s32 s2, $0x0  }
0xf2: {  	s3 =	rddreg [dreg:$0x2];
	[bflag:$0x3] =	sbarrier.arrive $0xFFFF;
	s2 =	simm.s32 @!p0 $0x1C01  }
0xf3: {  	[timem:s3], [sflag:s2] =	dma.local @!p0 [hbm:s0], s1  }
0xf4: {  	s0 =	simm.s32 @!p0 $0x1  }
0xf5: {  	_ =	swait.ge @!p0 [sflag:s0], s1  }
0xf6: {  	s1 =	ssub.s32 @!p0 $0x0, s1;
	[sflag:s0] =	ssyncset.done @!p0 $0x0  }
0xf7: {  	[sflag:s0] =	ssyncadd.s32 @!p0 s1  }
0xf8: {  	[bflag:$0x3] =	sbarrier.arrive $0xFFFF  }
0xf9: {  	_ =	shalt  }

// kernel: sparse-core-data-format-call.cloned.1.call-start
scs
called_computation_lowered:
.L_overlay_start_0:
0x0: {  	s2 =	sld [smem:$0x3FD9]  }
0x1: {  	s3 =	sld [smem:$0x3FFE];
	_ =	sdelay $0x1  }
0x2: {  	s1 =	srdreg.scid  }
0x3: {  	s0 =	sand.u32 $0x1, s1  }
0x4: {  	s15 =	sshll.u32 s0, $0xA;
	s2 =	sadd.s32 s3, s2  }
0x5: {  	s2 =	sadd.s32 s2, s15  }
0x6: {  	[smem:$0x3FC3] =	sst s2  }
0x7: {  	_ = 	snop  }
0x8: {  	s2 =	sld [smem:$0x3FD0];
	_ =	sdelay $0x2  }
0x9: {  	s16 =	simm.s32 $0xA;
	s4 =	simm.s32 $0x10  }
0xa: {  	[smem:s4], [sflag:s16] =	dma.local [hbm:s2], $0x1  }
0xb: {  	_ =	swait.eq [sflag:s16], $0x1  }
0xc: {  	[sflag:s16] =	ssyncset.done $0x0  }
0xd: {  	[sflag:s16] =	ssyncadd.s32 $0xFFFFFFFF  }
0xe: {  	s17 =	sld [smem:$0x10];
	(tm) =	ssettm $0x1  }
0xf: {  	s18 =	sld [smem:$0x3FFB];
	_ =	sdelay $0x3  }
0x10: {  	_ =	strace s18  }
0x11: {  	s3 =	sld [smem:$0x3FFC];
	_ =	sdelay $0x3  }
0x12: {  	_ =	strace s3  }
0x13: {  	s3 =	sld [smem:$0x3FFD];
	_ =	sdelay $0x3  }
0x14: {  	_ =	strace s3  }
0x15: {  	_ =	strace $0x8FFFFFFF  }
0x16: {  	s19 =	sld [smem:$0x3FDB];
	_ =	sdelay $0x1  }
0x17: {  	s20 =	simm.s32 $_scs_section_size  }
0x18: {  	s5 =	simm.s32 $_size__tile_overlayer_lowered;
	s6 =	simm.s32 $_tile_overlayer_lowered  }
0x19: {  	s23 =	simm.s32 $0x1BFF;
	s22 =	sshll.u32 s6, $0x1;
	s3 =	sadd.s32 s20, s19  }
0x1a: {  	s7 =	simm.s32 $0x0;
	s21 =	sshll.u32 s5, $0x1;
	s5 =	sadd.s32 s22, s3  }
0x1b: {  	[timem:s7], [sflag:s23] =	dma.local [hbm:s5], s21  }
0x1c: {  	_ =	swait.ge [sflag:s23], s21  }
0x1d: {  	s4 =	ssub.s32 $0x0, s21;
	[sflag:s23] =	ssyncset.done $0x0  }
0x1e: {  	[sflag:s23] =	ssyncadd.s32 s4;
	_ =	sdelay $0x1  }
0x1f: {  	s24 =	simm.s32 $0x1B8B  }
0x20: {  	_ =	swait.ge [sflag:s24], $0x1  }
0x21: {  	[sflag:s24] =	ssyncset.done $0x0  }
0x22: {  	s26 =	simm.s32 $0x1B8E;
	s25 =	sld [smem:$0x3FFE];
	[sflag:s24] =	ssyncadd.s32 $0xFFFFFFFF  }
0x23: {  	s27 =	simm.s32 $execute0_lowered;
	[smem:$0x3FD2] =	sst s26  }
0x24: {  	s5 =	sshll.u32 s27, $0x1;
	_ =	strace $0x8000004C;
	[dreg:$0x1] =	wrdreg $0xFFFFFFFF  }
0x25: {  	s28 =	simm.s32 $_size_execute0_lowered;
	s3 =	sadd.s32 s3, s5;
	[dreg:$0x0] =	wrdreg $0x0  }
0x26: {  	s5 =	sshll.u32 s28, $0x1;
	[dreg:$0x2] =	wrdreg s3  }
0x27: {  	[dreg:$0x3] =	wrdreg s5  }
0x28: {  	[dreg:$0x4] =	wrdreg $0xC0  }
0x29: {  	_ =	task [dreg:s7], $0x5FFFF  }
0x2a: {  	[dreg:$0x1] =	wrdreg $0xFFFFFFFF  }
0x2b: {  	[dreg:$0x0] =	wrdreg $0x60  }
0x2c: {  	[dreg:$0x2] =	wrdreg s25  }
0x2d: {  	[dreg:$0x3] =	wrdreg s17  }
0x2e: {  	[dreg:$0x4] =	wrdreg $0x9  }
0x2f: {  	_ =	task.clear_ibuf [dreg:s7], $0x5FFFF;
	_ =	strace $0x9000004C  }
0x30: {  	s29 =	simm.s32 $0x9;
	_ =	strace $0x8000004E  }
0x31: {  	_ =	swait.ge [sflag:s29], $0x1  }
0x32: {  	[sflag:s29] =	ssyncadd.s32 $0xFFFFFFFF  }
0x33: {  	_ =	strace $0x9000004E  }
0x34: {  	_ =	sfence  }
0x35: {  	s30 =	sld [smem:$0x0];
	_ =	sdelay $0x2  }
0x36: {  	s31 =	sshll.u32 s1, $0xD;
	s1 =	sshrl.u32 s1, $0x2  }
0x37: {  	s3 =	sand.u32 $0x4000, s31;
	s1 =	sadd.s32 s1, s30  }
0x38: {  	s0 =	sor.u32 s3, s0;
	s1 =	sshll.u32 s1, $0x11  }
0x39: {  	s0 =	sor.u32 s1, s0  }
0x3a: {  	s0 =	sadd.s32 $0x8F2B, s0  }
0x3b: {  	[sflag:s0] =	ssyncadd.remote.s32 $0x1  }
0x3c: {  	_ =	sfence.sel $0xFFFF  }
0x3d: {  	[dreg:$0x0] =	wrdreg $0xFFFFFFFF;
	(pc) =	sbr.abs _section_cstart, $3  }
0x3e: {  	[dreg:$0x1] =	wrdreg $0xFFFFFFFF  }
0x3f: {  	_ =	task.clear_ibuf [dreg:s7], $0x2FFFF;
	_ =	strace $0x9FFFFFFF  }
0x40: {  	(tm) =	ssettm $0x7FFFFFFF  }
0x41: {  	_ =	shalt  }
tec
execute0_lowered:
.L_overlay_start_1:
0x0: {  	(tag) =	ssettag $0x1  }
0x1: {  	s6 =	rddreg [dreg:$0x0]  }
0x2: {  	s0 =	srdreg.scid;
	s3 =	rddreg [dreg:$0x1]  }
0x3: {  	s7 =	simm.s32 $0x2;
	s14 =	simm.s32 $0x0;
	p0 =	por $0x0, $0x0  }
0x4: {  	s8 =	simm.s32 $0x320000;
	s16 =	simm.s32 $0x0;
	s1 =	sshll.u32 s0, $0x4  }
0x5: {  	s15 =	simm.s32 $0x0;
	s0 =	stileid.u32;
	s1 =	sand.u32 $0x10, s1  }
0x6: {  	s17 =	simm.s32 $0x0;
	s9 =	simm.s32 $0x0;
	s2 =	sor.u32 s0, s1  }
.Ltmp0:
0x7: {  	s11 =	simm.s32 $0x0;
	s4 =	ssub.s32 $0x47, s2;
	(pc) =	sbr.rel .LBB1_1-.Ltmp0, $4  }
0x8: {  	s12 =	simm.s32 $0x0;
	s1 =	rddreg [dreg:$0x2];
	s5 =	sshrl.u32 s4, $0x5  }
0x9: {  	_ =	strace $0x8000004D;
	s4 =	simm.s32 $0x1;
	s5 =	smul.u32 $0x28, s5  }
0xa: {  	s13 =	simm.s32 $0x0;
	s6 =	sadd.s32 $0x33E00, s6;
	[sflag:s4] =	ssyncpa.u1 $0x0  }
0xb: {  	s10 =	smov.u32 s2;
	[sflag:s7] =	ssyncpa.u1 $0x0;
	s7 =	sor.u32 $0x1, s5  }
.LBB1_7:
0xc: {  	s18 =	sadd.s32 $0x1, s9  }
0xd: {  	s14 =	sadd.s32 $0x20, s10;
	s19 =	smov.u32 s10;
	p2 =	sgt.s32 s18, $0x27  }
0xe: {  	s19 =	smov.u32 @p2 s14  }
0xf: {  	s20 =	smov.u32 s11;
	s14 =	sadd.s32 $0x80, s11;
	p3 =	sgt.s32 s19, $0x27  }
0x10: {  	s20 =	smov.u32 @p3 s14  }
0x11: {  	s21 =	smov.u32 s12;
	s14 =	sadd.s32 $0x8, s12;
	p4 =	sgt.s32 s20, $0x7F  }
0x12: {  	p1 =	slt.u32 s13, $0x2;
	s21 =	smov.u32 @p4 s14  }
0x13: {  	s16 =	smov.u32 s10;
	s18 =	simm.s32 @p2 $0x0;
	p2 =	sgt.s32 s21, $0x7  }
0x14: {  	s22 =	simm.s32 @!p1 $0x2;
	s21 =	simm.s32 @p2 $0x0;
	p2 =	sne.s32 s13, s7  }
.Ltmp1:
0x15: {  	s15 =	smov.u32 s11;
	_ =	swait.ge @!p1 [sflag:s22], $0x4000;
	(pc) =	sbr.rel @!p2 .LBB1_8-.Ltmp1, $4  }
0x16: {  	s17 =	smov.u32 s12;
	[sflag:s22] =	ssyncset.done @!p1 $0x0;
	s19 =	smov.u32 @p3 s2  }
0x17: {  	p0 =	por !p0, !p0;
	[sflag:s22] =	ssyncadd.s32 @!p1 $0xFFFFC000;
	s10 =	smov.u32 s19  }
0x18: {  	s20 =	simm.s32 @p4 $0x0;
	s14 =	smov.u32 s9;
	s9 =	smov.u32 s18  }
0x19: {  	s11 =	smov.u32 s20;
	s13 =	sadd.s32 $0x1, s13;
	s12 =	smov.u32 s21  }
.LBB1_1:
0x1a: {  	p1 =	sge.u32 s13, s5  }
0x1b: {  	s18 =	sand.u32 @!p1 $0x1FFFFFF, s9;
	s20 =	smul.u32 @!p1 $0x320000, s12  }
0x1c: {  	s19 =	smulhi.u32 @!p1 $0x6666667, s18  }
0x1d: {  	s21 =	smul.u32 @!p1 $0x6400, s11  }
0x1e: {  	s31 =	sadd.s32 $0xFFFFFFFF, s13;
	s19 =	smul.u32 @!p1 $0x28, s19  }
0x1f: {  	s22 =	sxor.u32 @!p1 $0xFFFFFFFF, s13;
	s23 =	smul.u32 @!p1 $0x280, s10;
	s20 =	sadd.s32 @!p1 s6, s20  }
0x20: {  	s20 =	sadd.s32 @!p1 s21, s20;
	s21 =	simm.s32 @!p1 $0x32000;
	s18 =	ssub.s32 @!p1 s18, s19  }
0x21: {  	s20 =	sadd.s32 @!p1 s23, s20;
	s19 =	sshll.u32 @!p1 s22, $0xE;
	s18 =	sshll.u32 @!p1 s18, $0x4  }
0x22: {  	s19 =	sand.u32 @!p1 $0x4000, s19;
	s18 =	sadd.s32 @!p1 s18, s20;
	s20 =	simm.s32 @!p1 $0x10  }
0x23: {  	[tilespmem:s19], [sflag:$0x1] =	stream.strided.gather @!p1 [hbm4b:s18+s20], $0x4000, s21, s20, $0x38;
	[tilespmem:$0x10100] =	vst v63  }
0x24: {  	p1 =	sge.u32 s31, s5  }
.Ltmp2:
0x25: {  	_ = 	snop;
	(pc) =	sbr.rel @p1 .LBB1_7-.Ltmp2, $1  }
0x26: {  	_ =	sdelay $0x3  }
0x27: {  	s18 =	simm.s32 $0x1;
	s19 =	sand.u32 $0x1, s13  }
0x28: {  	s18 =	simm.s32 @!p0 $0x0;
	s21 =	smul.u32 $0x10200, s19  }
0x29: {  	_ =	swait.ge [sflag:s4], $0x4000;
	s20 =	smul.u32 $0x10200, s18  }
0x2a: {  	[sflag:s4] =	ssyncset.done $0x0;
	s19 =	sshll.u32 s18, $0xE  }
0x2b: {  	[sflag:s4] =	ssyncadd.s32 $0xFFFFC000;
	s31 =	sshrl.u32 s21, $0x2;
	s30 =	sshrl.u32 s20, $0x2  }
0x2c: {  	s21 =	simm.s32 $0x0;
	s18 =	sor.u32 $0x8000, s31;
	s20 =	sor.u32 $0x8000, s30  }
.LBB1_3:
0x2d: {  	v0 =	vmov s19;
	_ =	sdelay $0x3  }
0x2e: {  	s22 =	simm.s32 $0x0  }
0x2f: {  	v1 =	vld.idx.msk [tilespmem:v0+s22+$0x0 ss:$0x1], $0xffff;
	_ =	sdelay $0x2  }
0x30: {  	s23 =	simm.s32 $0x40;
	s22 =	smov.u32 s20  }
.LBB1_4:
0x31: {  	s24 =	sshra.s32 s23, $0x2;
	p1 =	sne.s32 s23, $0x1FC0;
	s23 =	sadd.s32 $0x40, s23  }
.Ltmp3:
0x32: {  	[tilespmem:s22+$0x0 ss:$0x81] =	vst.msk $0xffff, v1;
	v1 =	vld.idx.msk [tilespmem:v0+s24+$0x0 ss:$0x1], $0xffff;
	(pc) =	sbr.rel @p1 .LBB1_4-.Ltmp3, $2  }
0x33: {  	_ =	sdelay $0x2  }
0x34: {  	s22 =	sadd.s32 $0x1, s22  }
0x35: {  	s21 =	sadd.s32 $0x1, s21  }
0x36: {  	p1 =	sne.s32 s21, $0x8  }
.Ltmp4:
0x37: {  	_ = 	snop;
	(pc) =	sbr.rel @p1 .LBB1_3-.Ltmp4, $2  }
0x38: {  	_ =	sdelay $0x2  }
0x39: {  	[tilespmem:s22+$0x0 ss:$0x81] =	vst.msk $0xffff, v1;
	s19 =	sadd.s32 $0x800, s19;
	s20 =	sadd.s32 $0x810, s20  }
0x3a: {  	s17 =	smul.u32 $0x64000, s17;
	_ =	sdelay $0x1  }
0x3b: {  	s19 =	sand.u32 $0x80, s15;
	s16 =	smul.u32 $0x2800, s16;
	s17 =	sadd.s32 s3, s17  }
.Ltmp5:
0x3c: {  	s20 =	sshrl.u32 s15, $0x3;
	s17 =	sadd.s32 s19, s17;
	(pc) =	sbr.rel .LBB1_7-.Ltmp5, $4  }
0x3d: {  	s31 =	sand.u32 $0x7, s15;
	s30 =	sand.u32 $0xF, s20;
	s16 =	sadd.s32 s16, s17  }
0x3e: {  	s14 =	sshll.u32 s14, $0x8;
	s15 =	sshll.u32 s31, $0x12;
	s16 =	sadd.s32 s30, s16  }
0x3f: {  	s15 =	sor.u32 $0x800, s15;
	s14 =	sadd.s32 s14, s16  }
0x40: {  	[hbm4b:s14+s15] =	stream.strided.scatter [tilespmem:s18], [sflag:$0x2], $0x4000, s8, s15, $0x20;
	[tilespmem:$0x10100] =	vst v63  }
.LBB1_8:
0x41: {  	_ =	sfence.sel $0x180000  }
0x42: {  	s2 =	simm.s32 $0x1;
	[bflag:$0x0] =	sbarrier.arrive $0xFFFF  }
0x43: {  	s31 =	simm.s32 $0x2;
	[sflag:s2] =	ssyncpa.u1 $0x1  }
0x44: {  	[sflag:s31] =	ssyncpa.u1 $0x1  }
0x45: {  	p0 =	sne.s32 s0, $0x0;
	_ =	strace $0x9000004D  }
0x46: {  	s0 =	sadd.s32 @!p0 $0x100000, s1;
	[bflag:$0x2] =	sbarrier.arrive $0xFFFF  }
0x47: {  	[sflag:s0] =	ssyncadd.tile.s32 @!p0 $0x1;
	_ =	shalt  }
.Lfunc_end1:
_tile_overlayer_lowered:
.L_overlay_start_2:
0x48: {  	(tag) =	ssettag $0x2  }
0x49: {  	s0 =	rddreg [dreg:$0x0];
	s2 =	stileid.u32  }
0x4a: {  	s1 =	rddreg [dreg:$0x1];
	p0 =	sne.s32 s2, $0x0  }
0x4b: {  	s3 =	rddreg [dreg:$0x2];
	[bflag:$0x3] =	sbarrier.arrive $0xFFFF;
	s2 =	simm.s32 @!p0 $0x1C01  }
0x4c: {  	[timem:s3], [sflag:s2] =	dma.local @!p0 [hbm:s0], s1  }
0x4d: {  	s0 =	simm.s32 @!p0 $0x1  }
0x4e: {  	_ =	swait.ge @!p0 [sflag:s0], s1  }
0x4f: {  	s1 =	ssub.s32 @!p0 $0x0, s1;
	[sflag:s0] =	ssyncset.done @!p0 $0x0  }
0x50: {  	[sflag:s0] =	ssyncadd.s32 @!p0 s1  }
0x51: {  	[bflag:$0x3] =	sbarrier.arrive $0xFFFF  }
0x52: {  	_ =	shalt  }

</sc_bundles>
